<compile_context>
chip_gen: v7x
topology: tpu7x:2x2x1
jax: 0.10.2.dev20260603
libtpu: 0.0.44.dev20260713+nightly
codegen_flags: <defaults>
</compile_context>

<pallas_src>
import functools

import jax
import jax.numpy as jnp
from jax import lax
from jax.experimental import pallas as pl
from jax.experimental.pallas import tpu as pltpu
from jax.experimental.pallas import tpu_sc as plsc

_N = 10000
_E = 320000
_D_IN = 128
_D_HID = 128
_D_OUT = 64

_NC = 2
_NS = 16
_N_PAD = 10240
_ROWS_PER_TILE = _N_PAD // _NS
_E_CORE = _E // _NC
_E_TILE = _E_CORE // _NS
_CHUNK = 128
_NFULL = _E_TILE // _CHUNK
_TAIL = _E_TILE - _NFULL * _CHUNK

_mesh = plsc.VectorSubcoreMesh(core_axis_name="c", subcore_axis_name="s")


@functools.partial(
    pl.kernel,
    out_type=jax.ShapeDtypeStruct((_NC, _N_PAD), jnp.float32),
    mesh=_mesh,
    scratch_types=[
        pltpu.VMEM((_CHUNK,), jnp.int32),
        pltpu.VMEM((_TAIL,), jnp.int32),
        pltpu.VMEM((_CHUNK,), jnp.float32),
        pltpu.VMEM((_ROWS_PER_TILE,), jnp.float32),
        pltpu.VMEM_SHARED((_N_PAD,), jnp.float32),
        pltpu.SemaphoreType.DMA,
    ],
)
def _deg_kernel(dst_hbm, out_hbm, idx_v, idxt_v, ones_v, zrow_v, acc, sem):
    cid = lax.axis_index("c")
    sid = lax.axis_index("s")

    @pl.loop(0, _ROWS_PER_TILE // 16)
    def _(i):
        zrow_v[pl.ds(i * 16, 16)] = jnp.zeros((16,), jnp.float32)

    @pl.loop(0, _CHUNK // 16)
    def _(i):
        ones_v[pl.ds(i * 16, 16)] = jnp.full((16,), 1.0, jnp.float32)

    rbase = sid * _ROWS_PER_TILE
    pltpu.sync_copy(zrow_v, acc.at[pl.ds(rbase, _ROWS_PER_TILE)])
    plsc.subcore_barrier()

    ebase = cid * _E_CORE + sid * _E_TILE

    @pl.loop(0, _NFULL)
    def _(j):
        pltpu.sync_copy(dst_hbm.at[pl.ds(ebase + j * _CHUNK, _CHUNK)], idx_v)
        pltpu.sync_copy(ones_v, acc.at[idx_v], add=True)

    pltpu.sync_copy(dst_hbm.at[pl.ds(ebase + _NFULL * _CHUNK, _TAIL)], idxt_v)
    pltpu.sync_copy(ones_v.at[pl.ds(0, _TAIL)], acc.at[idxt_v], add=True)
    plsc.subcore_barrier()

    pltpu.sync_copy(acc.at[pl.ds(rbase, _ROWS_PER_TILE)],
                    out_hbm.at[cid, pl.ds(rbase, _ROWS_PER_TILE)])


def _make_agg(d):
    @functools.partial(
        pl.kernel,
        out_type=jax.ShapeDtypeStruct((_NC, _N_PAD, d), jnp.float32),
        mesh=_mesh,
        scratch_types=[
            pltpu.VMEM((_CHUNK,), jnp.int32),
            pltpu.VMEM((_CHUNK,), jnp.int32),
            pltpu.VMEM((_TAIL,), jnp.int32),
            pltpu.VMEM((_TAIL,), jnp.int32),
            pltpu.VMEM((_CHUNK, d), jnp.float32),
            pltpu.VMEM((_TAIL, d), jnp.float32),
            pltpu.VMEM_SHARED((_N_PAD, d), jnp.float32),
            pltpu.SemaphoreType.DMA,
        ],
    )
    def _agg(src_hbm, dst_hbm, hs_hbm, out_hbm,
             sidx, didx, sidxt, didxt, rows, rowst, acc, sem):
        cid = lax.axis_index("c")
        sid = lax.axis_index("s")

        @pl.loop(0, _CHUNK)
        def _(r):
            @pl.loop(0, d // 16)
            def _(q):
                rows[r, pl.ds(q * 16, 16)] = jnp.zeros((16,), jnp.float32)

        rbase = sid * _ROWS_PER_TILE

        @pl.loop(0, _ROWS_PER_TILE // _CHUNK)
        def _(k):
            pltpu.sync_copy(rows, acc.at[pl.ds(rbase + k * _CHUNK, _CHUNK)])

        plsc.subcore_barrier()

        ebase = cid * _E_CORE + sid * _E_TILE

        @pl.loop(0, _NFULL)
        def _(j):
            pltpu.sync_copy(src_hbm.at[pl.ds(ebase + j * _CHUNK, _CHUNK)],
                            sidx)
            pltpu.sync_copy(dst_hbm.at[pl.ds(ebase + j * _CHUNK, _CHUNK)],
                            didx)
            pltpu.async_copy(hs_hbm.at[sidx], rows, sem).wait()
            pltpu.sync_copy(rows, acc.at[didx], add=True)

        tbase = ebase + _NFULL * _CHUNK
        pltpu.sync_copy(src_hbm.at[pl.ds(tbase, _TAIL)], sidxt)
        pltpu.sync_copy(dst_hbm.at[pl.ds(tbase, _TAIL)], didxt)
        pltpu.async_copy(hs_hbm.at[sidxt], rowst, sem).wait()
        pltpu.sync_copy(rowst, acc.at[didxt], add=True)
        plsc.subcore_barrier()

        pltpu.sync_copy(acc.at[pl.ds(rbase, _ROWS_PER_TILE)],
                        out_hbm.at[cid, pl.ds(rbase, _ROWS_PER_TILE)])

    return _agg


_agg_hid = _make_agg(_D_HID)

_BLK = 1000
_GRID = _N // _BLK


def _pre_body(deg_ref, x_ref, w1_ref, dis_ref, hs1_ref):
    deg = deg_ref[0] + deg_ref[1] + 1.0
    dis = lax.rsqrt(deg)
    h = jnp.dot(x_ref[...], w1_ref[...], preferred_element_type=jnp.float32)
    dis_ref[...] = dis
    hs1_ref[...] = h * dis


def _pre_call(degp, x, w1):
    return pl.pallas_call(
        _pre_body,
        grid=(_GRID,),
        in_specs=[
            pl.BlockSpec((_NC, _BLK, 1), lambda i: (0, i, 0)),
            pl.BlockSpec((_BLK, _D_IN), lambda i: (i, 0)),
            pl.BlockSpec((_D_IN, _D_HID), lambda i: (0, 0)),
        ],
        out_specs=[
            pl.BlockSpec((_BLK, 1), lambda i: (i, 0)),
            pl.BlockSpec((_BLK, _D_HID), lambda i: (i, 0)),
        ],
        out_shape=[
            jax.ShapeDtypeStruct((_N, 1), jnp.float32),
            jax.ShapeDtypeStruct((_N, _D_HID), jnp.float32),
        ],
    )(degp, x, w1)


def _mid_body(p1_ref, hs1_ref, dis_ref, b1_ref, hsm_ref):
    dis = dis_ref[...]
    p1 = p1_ref[0] + p1_ref[1] + hs1_ref[...]
    h1 = jnp.maximum(dis * p1 + b1_ref[...], 0.0)
    hsm_ref[...] = h1 * dis


def _mid_call(p1, hs1, dis, b1):
    return pl.pallas_call(
        _mid_body,
        grid=(_GRID,),
        in_specs=[
            pl.BlockSpec((_NC, _BLK, _D_HID), lambda i: (0, i, 0)),
            pl.BlockSpec((_BLK, _D_HID), lambda i: (i, 0)),
            pl.BlockSpec((_BLK, 1), lambda i: (i, 0)),
            pl.BlockSpec((1, _D_HID), lambda i: (0, 0)),
        ],
        out_specs=pl.BlockSpec((_BLK, _D_HID), lambda i: (i, 0)),
        out_shape=jax.ShapeDtypeStruct((_N, _D_HID), jnp.float32),
    )(p1, hs1, dis, b1)


def _post_body(p2_ref, hsm_ref, dis_ref, w2_ref, b2_ref, out_ref):
    a = dis_ref[...] * (p2_ref[0] + p2_ref[1] + hsm_ref[...])
    o = jnp.dot(a, w2_ref[...], preferred_element_type=jnp.float32) \
        + b2_ref[...]
    m = jnp.max(o, axis=1, keepdims=True)
    lse = m + jnp.log(jnp.sum(jnp.exp(o - m), axis=1, keepdims=True))
    out_ref[...] = o - lse


def _post_call(p2, hsm, dis, w2, b2):
    return pl.pallas_call(
        _post_body,
        grid=(_GRID,),
        in_specs=[
            pl.BlockSpec((_NC, _BLK, _D_HID), lambda i: (0, i, 0)),
            pl.BlockSpec((_BLK, _D_HID), lambda i: (i, 0)),
            pl.BlockSpec((_BLK, 1), lambda i: (i, 0)),
            pl.BlockSpec((_D_HID, _D_OUT), lambda i: (0, 0)),
            pl.BlockSpec((1, _D_OUT), lambda i: (0, 0)),
        ],
        out_specs=pl.BlockSpec((_BLK, _D_OUT), lambda i: (i, 0)),
        out_shape=jax.ShapeDtypeStruct((_N, _D_OUT), jnp.float32),
    )(p2, hsm, dis, w2, b2)


def kernel(x, edge_index, W1, b1, W2, b2):
    src = edge_index[0]
    dst = edge_index[1]
    degp = _deg_kernel(dst)[:, :_N, None]
    dis, hs1 = _pre_call(degp, x, W1)
    p1 = _agg_hid(src, dst, hs1)[:, :_N]
    hsm = _mid_call(p1, hs1, dis, b1[None, :])
    p2 = _agg_hid(src, dst, hsm)[:, :_N]
    return _post_call(p2, hsm, dis, W2, b2[None, :])

# --- scband reference (transcript-rebuilt; emitter-appended) ---
"""Pipeline reference for scband-gcn-3350074490929 (READ-ONLY COPY).

The authoritative reference and input builder live on the scoring server;
editing this copy changes nothing except your own understanding.
"""

import jax, jax.numpy as jnp
import numpy as np

N = 10000
E = 320000
D_IN = 128
D_HID = 128
D_OUT = 64


def setup_inputs(seed: int = 0) -> dict:
    key = jax.random.key(seed)
    k1, k2, k3, k4 = jax.random.split(key, 4)
    x = jax.random.normal(k1, (N, D_IN), dtype=jnp.float32)
    edge_index = jax.random.randint(k2, (2, E), 0, N, dtype=jnp.int32)
    # GCNConv weights (glorot-ish init) and biases
    W1 = jax.random.normal(k3, (D_IN, D_HID), dtype=jnp.float32) * (1.0 / np.sqrt(D_IN))
    b1 = jnp.zeros((D_HID,), dtype=jnp.float32)
    W2 = jax.random.normal(k4, (D_HID, D_OUT), dtype=jnp.float32) * (1.0 / np.sqrt(D_HID))
    b2 = jnp.zeros((D_OUT,), dtype=jnp.float32)
    return {"x": x, "edge_index": edge_index, "W1": W1, "b1": b1, "W2": W2, "b2": b2}


def _gcn_conv(x, edge_index, W, b):
    # PyG GCNConv: linear transform, add self-loops, symmetric degree normalization,
    # scatter-add aggregation over destination nodes, then bias.
    n = x.shape[0]
    h = x @ W
    loop = jnp.arange(n, dtype=edge_index.dtype)
    src = jnp.concatenate([edge_index[0], loop])
    dst = jnp.concatenate([edge_index[1], loop])
    deg = jnp.zeros((n,), dtype=x.dtype).at[dst].add(1.0)
    deg_inv_sqrt = jnp.where(deg > 0, 1.0 / jnp.sqrt(deg), 0.0)
    norm = deg_inv_sqrt[src] * deg_inv_sqrt[dst]
    msg = h[src] * norm[:, None]
    out = jax.ops.segment_sum(msg, dst, num_segments=n)
    return out + b


def reference(x, edge_index, W1, b1, W2, b2):
    h = _gcn_conv(x, edge_index, W1, b1)
    h = jax.nn.relu(h)
    # dropout is identity in eval mode
    out = _gcn_conv(h, edge_index, W2, b2)
    return jax.nn.log_softmax(out, axis=1)

if __name__ == "__main__":
    import jax
    _d = setup_inputs()
    print(jax.jit(kernel)(*tuple(_d.values())))

</pallas_src>

<mosaic_0001>
#map = affine_map<(d0, d1) -> (0)>
#map1 = affine_map<(d0, d1) -> (0, 0)>
#map2 = affine_map<(d0, d1) -> (0, 0, 0)>
module attributes {stable_mosaic.version = 14 : i64} {
  func.func @_agg(%arg0: i32, %arg1: i32, %arg2: memref<320000xi32, #tpu.memory_space<hbm>>, %arg3: memref<320000xi32, #tpu.memory_space<hbm>>, %arg4: memref<10000x128xf32, #tpu.memory_space<hbm>>, %arg5: memref<2x10240x128xf32, #tpu.memory_space<hbm>>, %arg6: memref<128xi32, #tpu.memory_space<vmem>>, %arg7: memref<128xi32, #tpu.memory_space<vmem>>, %arg8: memref<16xi32, #tpu.memory_space<vmem>>, %arg9: memref<16xi32, #tpu.memory_space<vmem>>, %arg10: memref<128x128xf32, #tpu.memory_space<vmem>>, %arg11: memref<16x128xf32, #tpu.memory_space<vmem>>, %arg12: memref<10240x128xf32, #tpu.memory_space<vmem_shared>>, %arg13: memref<!tpu.dma_semaphore, #tpu.memory_space<semaphore_mem>>) attributes {dimension_semantics = [#tpu.dimension_semantics<core_parallel>, #tpu.dimension_semantics<subcore_parallel>], iteration_bounds = array<i64: 2, 16>, scalar_prefetch = 0 : i64, scratch_operands = 8 : i64, tpu.core_type = #tpu.core_type<sc_vector_subcore>, window_params = [{transform_indices = #map}, {transform_indices = #map}, {transform_indices = #map1}, {transform_indices = #map2}]} {
    %scan3A = arith.constant 0 : i32
    %scan3A_0 = arith.constant 128 : i32
    %scan3A_1 = arith.addi %scan3A, %scan3A_0 : i32
    %scan3A_2 = arith.constant 1 : i32
    scf.for %scan3A_26 = %scan3A to %scan3A_1 step %scan3A_2  : i32 {
      %mul3A_27 = arith.constant 1 : i32
      %mul3A_28 = arith.muli %scan3A_26, %mul3A_27 : i32
      %add3A_29 = arith.constant 0 : i32
      %add3A_30 = arith.addi %add3A_29, %mul3A_28 : i32
      %scan3A_31 = arith.constant 0 : i32
      %scan3A_32 = arith.constant 8 : i32
      %scan3A_33 = arith.addi %scan3A_31, %scan3A_32 : i32
      %scan3A_34 = arith.constant 1 : i32
      scf.for %scan3A_36 = %scan3A_31 to %scan3A_33 step %scan3A_34  : i32 {
        %mul3A_37 = arith.constant 1 : i32
        %mul3A_38 = arith.muli %scan3A_36, %mul3A_37 : i32
        %add3A_39 = arith.constant 0 : i32
        %add3A_40 = arith.addi %add3A_39, %mul3A_38 : i32
        %broadcast_in_dim3A = arith.constant 0.000000e+00 : f32
        %broadcast_in_dim3A_41 = vector.broadcast %broadcast_in_dim3A : f32 to vector<16xf32>
        %mul3A_42 = arith.constant 16 : i32
        %mul3A_43 = arith.muli %add3A_40, %mul3A_42 : i32
        %swap3A = arith.index_cast %add3A_30 : i32 to index
        %swap3A_44 = arith.index_cast %mul3A_43 : i32 to index
        %swap3A_45 = tpu.vector_load %arg10[%swap3A, %swap3A_44] {strides = array<i32>} : memref<128x128xf32, #tpu.memory_space<vmem>>, vector<1x16xf32>,
        %swap3A_46 = vector.shape_cast %swap3A_45 : vector<1x16xf32> to vector<16xf32>
        %swap3A_47 = vector.shape_cast %broadcast_in_dim3A_41 : vector<16xf32> to vector<1x16xf32>
        tpu.vector_store %arg10[%swap3A, %swap3A_44], %swap3A_47 {strides = array<i32>} : memref<128x128xf32, #tpu.memory_space<vmem>>, vector<1x16xf32>,
      }
      %scan3A_35 = arith.constant 8 : i32
    }
    %scan3A_3 = arith.constant 128 : i32
    %mul3A = arith.constant 640 : i32
    %mul3A_4 = arith.muli %arg1, %mul3A : i32
    %scan3A_5 = arith.constant 0 : i32
    %scan3A_6 = arith.constant 5 : i32
    %scan3A_7 = arith.addi %scan3A_5, %scan3A_6 : i32
    %scan3A_8 = arith.constant 1 : i32
    scf.for %scan3A_26 = %scan3A_5 to %scan3A_7 step %scan3A_8  : i32 {
      %mul3A_27 = arith.constant 1 : i32
      %mul3A_28 = arith.muli %scan3A_26, %mul3A_27 : i32
      %add3A_29 = arith.constant 0 : i32
      %add3A_30 = arith.addi %add3A_29, %mul3A_28 : i32
      %mul3A_31 = arith.constant 128 : i32
      %mul3A_32 = arith.muli %add3A_30, %mul3A_31 : i32
      %add3A_33 = arith.addi %mul3A_4, %mul3A_32 : i32
      "tpu.region"() ({
        %run_scoped3A = tpu.sem_alloc : memref<!tpu.dma_semaphore, #tpu.memory_space<semaphore_mem>>
        %dma_start3A_34 = arith.constant 0 : i32
        %dma_start3A_35 = tpu.memref_slice %arg12[%add3A_33, %dma_start3A_34] : memref<10240x128xf32, #tpu.memory_space<vmem_shared>> -> memref<128x128xf32, #tpu.memory_space<vmem_shared>>
        %dma_start3A_36 = arith.constant 0 : i32
        %dma_start3A_37 = tpu.memref_slice %arg12[%add3A_33, %dma_start3A_36] : memref<10240x128xf32, #tpu.memory_space<vmem_shared>> -> memref<128x128xf32, #tpu.memory_space<vmem_shared>>
        tpu.enqueue_dma source(%arg10 : memref<128x128xf32, #tpu.memory_space<vmem>>) target(%dma_start3A_37 : memref<128x128xf32, #tpu.memory_space<vmem_shared>>) target_semaphore(%run_scoped3A : memref<!tpu.dma_semaphore, #tpu.memory_space<semaphore_mem>>)
        %dma_wait3A_38 = arith.constant 0 : i32
        %dma_wait3A_39 = tpu.memref_slice %arg12[%add3A_33, %dma_wait3A_38] : memref<10240x128xf32, #tpu.memory_space<vmem_shared>> -> memref<128x128xf32, #tpu.memory_space<vmem_shared>>
        %dma_wait3A_40 = arith.constant 0 : i32
        %dma_wait3A_41 = tpu.memref_slice %arg12[%add3A_33, %dma_wait3A_40] : memref<10240x128xf32, #tpu.memory_space<vmem_shared>> -> memref<128x128xf32, #tpu.memory_space<vmem_shared>>
        tpu.wait_dma2 semaphore(%run_scoped3A : memref<!tpu.dma_semaphore, #tpu.memory_space<semaphore_mem>>) src(%arg10 : memref<128x128xf32, #tpu.memory_space<vmem>>) dst(%dma_wait3A_41 : memref<128x128xf32, #tpu.memory_space<vmem_shared>>)
        tpu.yield
      }) : () -> ()
    }
    %scan3A_9 = arith.constant 5 : i32
    %barrier3A = arith.constant 0 : index
    tpu.barrier barrier_id(%barrier3A)
    %mul3A_10 = arith.constant 160000 : i32
    %mul3A_11 = arith.muli %arg0, %mul3A_10 : i32
    %mul3A_12 = arith.constant 10000 : i32
    %mul3A_13 = arith.muli %arg1, %mul3A_12 : i32
    %add3A = arith.addi %mul3A_11, %mul3A_13 : i32
    %scan3A_14 = arith.constant 0 : i32
    %scan3A_15 = arith.constant 78 : i32
    %scan3A_16 = arith.addi %scan3A_14, %scan3A_15 : i32
    %scan3A_17 = arith.constant 1 : i32
    scf.for %scan3A_26 = %scan3A_14 to %scan3A_16 step %scan3A_17  : i32 {
      %mul3A_27 = arith.constant 1 : i32
      %mul3A_28 = arith.muli %scan3A_26, %mul3A_27 : i32
      %add3A_29 = arith.constant 0 : i32
      %add3A_30 = arith.addi %add3A_29, %mul3A_28 : i32
      %mul3A_31 = arith.constant 128 : i32
      %mul3A_32 = arith.muli %add3A_30, %mul3A_31 : i32
      %add3A_33 = arith.addi %add3A, %mul3A_32 : i32
      "tpu.region"() ({
        %run_scoped3A = tpu.sem_alloc : memref<!tpu.dma_semaphore, #tpu.memory_space<semaphore_mem>>
        %dma_start3A_43 = tpu.memref_slice %arg2[%add3A_33] : memref<320000xi32, #tpu.memory_space<hbm>> -> memref<128xi32, #tpu.memory_space<hbm>>
        %dma_start3A_44 = tpu.memref_slice %arg2[%add3A_33] : memref<320000xi32, #tpu.memory_space<hbm>> -> memref<128xi32, #tpu.memory_space<hbm>>
        tpu.enqueue_dma source(%dma_start3A_44 : memref<128xi32, #tpu.memory_space<hbm>>) target(%arg6 : memref<128xi32, #tpu.memory_space<vmem>>) target_semaphore(%run_scoped3A : memref<!tpu.dma_semaphore, #tpu.memory_space<semaphore_mem>>)
        %dma_wait3A_45 = tpu.memref_slice %arg2[%add3A_33] : memref<320000xi32, #tpu.memory_space<hbm>> -> memref<128xi32, #tpu.memory_space<hbm>>
        %dma_wait3A_46 = tpu.memref_slice %arg2[%add3A_33] : memref<320000xi32, #tpu.memory_space<hbm>> -> memref<128xi32, #tpu.memory_space<hbm>>
        tpu.wait_dma2 semaphore(%run_scoped3A : memref<!tpu.dma_semaphore, #tpu.memory_space<semaphore_mem>>) src(%dma_wait3A_46 : memref<128xi32, #tpu.memory_space<hbm>>) dst(%arg6 : memref<128xi32, #tpu.memory_space<vmem>>)
        tpu.yield
      }) : () -> ()
      %mul3A_34 = arith.constant 128 : i32
      %mul3A_35 = arith.muli %add3A_30, %mul3A_34 : i32
      %add3A_36 = arith.addi %add3A, %mul3A_35 : i32
      "tpu.region"() ({
        %run_scoped3A = tpu.sem_alloc : memref<!tpu.dma_semaphore, #tpu.memory_space<semaphore_mem>>
        %dma_start3A_43 = tpu.memref_slice %arg3[%add3A_36] : memref<320000xi32, #tpu.memory_space<hbm>> -> memref<128xi32, #tpu.memory_space<hbm>>
        %dma_start3A_44 = tpu.memref_slice %arg3[%add3A_36] : memref<320000xi32, #tpu.memory_space<hbm>> -> memref<128xi32, #tpu.memory_space<hbm>>
        tpu.enqueue_dma source(%dma_start3A_44 : memref<128xi32, #tpu.memory_space<hbm>>) target(%arg7 : memref<128xi32, #tpu.memory_space<vmem>>) target_semaphore(%run_scoped3A : memref<!tpu.dma_semaphore, #tpu.memory_space<semaphore_mem>>)
        %dma_wait3A_45 = tpu.memref_slice %arg3[%add3A_36] : memref<320000xi32, #tpu.memory_space<hbm>> -> memref<128xi32, #tpu.memory_space<hbm>>
        %dma_wait3A_46 = tpu.memref_slice %arg3[%add3A_36] : memref<320000xi32, #tpu.memory_space<hbm>> -> memref<128xi32, #tpu.memory_space<hbm>>
        tpu.wait_dma2 semaphore(%run_scoped3A : memref<!tpu.dma_semaphore, #tpu.memory_space<semaphore_mem>>) src(%dma_wait3A_46 : memref<128xi32, #tpu.memory_space<hbm>>) dst(%arg7 : memref<128xi32, #tpu.memory_space<vmem>>)
        tpu.yield
      }) : () -> ()
      %dma_start3A_37 = arith.constant 0 : i32
      %dma_start3A_38 = arith.constant 0 : i32
      %dma_start3A_39 = tpu.memref_slice %arg4[%dma_start3A_37, %dma_start3A_38] : memref<10000x128xf32, #tpu.memory_space<hbm>> -> memref<10000x128xf32, #tpu.memory_space<hbm>>
      tpu.enqueue_indirect_dma source(%dma_start3A_39 : memref<10000x128xf32, #tpu.memory_space<hbm>>) target(%arg10 : memref<128x128xf32, #tpu.memory_space<vmem>>) offsets(%arg6 : memref<128xi32, #tpu.memory_space<vmem>>) semaphore(%arg13 : memref<!tpu.dma_semaphore, #tpu.memory_space<semaphore_mem>>)
      %dma_wait3A_40 = arith.constant 0 : i32
      %dma_wait3A_41 = arith.constant 0 : i32
      %dma_wait3A_42 = tpu.memref_slice %arg4[%dma_wait3A_40, %dma_wait3A_41] : memref<10000x128xf32, #tpu.memory_space<hbm>> -> memref<10000x128xf32, #tpu.memory_space<hbm>>
      tpu.wait_indirect_dma semaphore(%arg13 : memref<!tpu.dma_semaphore, #tpu.memory_space<semaphore_mem>>) src(%dma_wait3A_42 : memref<10000x128xf32, #tpu.memory_space<hbm>>) dst(%arg10 : memref<128x128xf32, #tpu.memory_space<vmem>>)
      "tpu.region"() ({
        %run_scoped3A = tpu.sem_alloc : memref<!tpu.dma_semaphore, #tpu.memory_space<semaphore_mem>>
        %dma_start3A_43 = arith.constant 0 : i32
        %dma_start3A_44 = arith.constant 0 : i32
        %dma_start3A_45 = tpu.memref_slice %arg12[%dma_start3A_43, %dma_start3A_44] : memref<10240x128xf32, #tpu.memory_space<vmem_shared>> -> memref<10240x128xf32, #tpu.memory_space<vmem_shared>>
        tpu.enqueue_indirect_dma source(%arg10 : memref<128x128xf32, #tpu.memory_space<vmem>>) target(%dma_start3A_45 : memref<10240x128xf32, #tpu.memory_space<vmem_shared>>) offsets(%arg7 : memref<128xi32, #tpu.memory_space<vmem>>) semaphore(%run_scoped3A : memref<!tpu.dma_semaphore, #tpu.memory_space<semaphore_mem>>) {add = true}
        %dma_wait3A_46 = arith.constant 0 : i32
        %dma_wait3A_47 = arith.constant 0 : i32
        %dma_wait3A_48 = tpu.memref_slice %arg12[%dma_wait3A_46, %dma_wait3A_47] : memref<10240x128xf32, #tpu.memory_space<vmem_shared>> -> memref<10240x128xf32, #tpu.memory_space<vmem_shared>>
        tpu.wait_indirect_dma semaphore(%run_scoped3A : memref<!tpu.dma_semaphore, #tpu.memory_space<semaphore_mem>>) src(%arg10 : memref<128x128xf32, #tpu.memory_space<vmem>>) dst(%dma_wait3A_48 : memref<10240x128xf32, #tpu.memory_space<vmem_shared>>)
        tpu.yield
      }) : () -> ()
    }
    %scan3A_18 = arith.constant 78 : i32
    %add3A_19 = arith.constant 9984 : i32
    %add3A_20 = arith.addi %add3A, %add3A_19 : i32
    "tpu.region"() ({
      %run_scoped3A = tpu.sem_alloc : memref<!tpu.dma_semaphore, #tpu.memory_space<semaphore_mem>>
      %dma_start3A_26 = tpu.memref_slice %arg2[%add3A_20] : memref<320000xi32, #tpu.memory_space<hbm>> -> memref<16xi32, #tpu.memory_space<hbm>>
      %dma_start3A_27 = tpu.memref_slice %arg2[%add3A_20] : memref<320000xi32, #tpu.memory_space<hbm>> -> memref<16xi32, #tpu.memory_space<hbm>>
      tpu.enqueue_dma source(%dma_start3A_27 : memref<16xi32, #tpu.memory_space<hbm>>) target(%arg8 : memref<16xi32, #tpu.memory_space<vmem>>) target_semaphore(%run_scoped3A : memref<!tpu.dma_semaphore, #tpu.memory_space<semaphore_mem>>)
      %dma_wait3A_28 = tpu.memref_slice %arg2[%add3A_20] : memref<320000xi32, #tpu.memory_space<hbm>> -> memref<16xi32, #tpu.memory_space<hbm>>
      %dma_wait3A_29 = tpu.memref_slice %arg2[%add3A_20] : memref<320000xi32, #tpu.memory_space<hbm>> -> memref<16xi32, #tpu.memory_space<hbm>>
      tpu.wait_dma2 semaphore(%run_scoped3A : memref<!tpu.dma_semaphore, #tpu.memory_space<semaphore_mem>>) src(%dma_wait3A_29 : memref<16xi32, #tpu.memory_space<hbm>>) dst(%arg8 : memref<16xi32, #tpu.memory_space<vmem>>)
      tpu.yield
    }) : () -> ()
    "tpu.region"() ({
      %run_scoped3A = tpu.sem_alloc : memref<!tpu.dma_semaphore, #tpu.memory_space<semaphore_mem>>
      %dma_start3A_26 = tpu.memref_slice %arg3[%add3A_20] : memref<320000xi32, #tpu.memory_space<hbm>> -> memref<16xi32, #tpu.memory_space<hbm>>
      %dma_start3A_27 = tpu.memref_slice %arg3[%add3A_20] : memref<320000xi32, #tpu.memory_space<hbm>> -> memref<16xi32, #tpu.memory_space<hbm>>
      tpu.enqueue_dma source(%dma_start3A_27 : memref<16xi32, #tpu.memory_space<hbm>>) target(%arg9 : memref<16xi32, #tpu.memory_space<vmem>>) target_semaphore(%run_scoped3A : memref<!tpu.dma_semaphore, #tpu.memory_space<semaphore_mem>>)
      %dma_wait3A_28 = tpu.memref_slice %arg3[%add3A_20] : memref<320000xi32, #tpu.memory_space<hbm>> -> memref<16xi32, #tpu.memory_space<hbm>>
      %dma_wait3A_29 = tpu.memref_slice %arg3[%add3A_20] : memref<320000xi32, #tpu.memory_space<hbm>> -> memref<16xi32, #tpu.memory_space<hbm>>
      tpu.wait_dma2 semaphore(%run_scoped3A : memref<!tpu.dma_semaphore, #tpu.memory_space<semaphore_mem>>) src(%dma_wait3A_29 : memref<16xi32, #tpu.memory_space<hbm>>) dst(%arg9 : memref<16xi32, #tpu.memory_space<vmem>>)
      tpu.yield
    }) : () -> ()
    %dma_start3A = arith.constant 0 : i32
    %dma_start3A_21 = arith.constant 0 : i32
    %dma_start3A_22 = tpu.memref_slice %arg4[%dma_start3A, %dma_start3A_21] : memref<10000x128xf32, #tpu.memory_space<hbm>> -> memref<10000x128xf32, #tpu.memory_space<hbm>>
    tpu.enqueue_indirect_dma source(%dma_start3A_22 : memref<10000x128xf32, #tpu.memory_space<hbm>>) target(%arg11 : memref<16x128xf32, #tpu.memory_space<vmem>>) offsets(%arg8 : memref<16xi32, #tpu.memory_space<vmem>>) semaphore(%arg13 : memref<!tpu.dma_semaphore, #tpu.memory_space<semaphore_mem>>)
    %dma_wait3A = arith.constant 0 : i32
    %dma_wait3A_23 = arith.constant 0 : i32
    %dma_wait3A_24 = tpu.memref_slice %arg4[%dma_wait3A, %dma_wait3A_23] : memref<10000x128xf32, #tpu.memory_space<hbm>> -> memref<10000x128xf32, #tpu.memory_space<hbm>>
    tpu.wait_indirect_dma semaphore(%arg13 : memref<!tpu.dma_semaphore, #tpu.memory_space<semaphore_mem>>) src(%dma_wait3A_24 : memref<10000x128xf32, #tpu.memory_space<hbm>>) dst(%arg11 : memref<16x128xf32, #tpu.memory_space<vmem>>)
    "tpu.region"() ({
      %run_scoped3A = tpu.sem_alloc : memref<!tpu.dma_semaphore, #tpu.memory_space<semaphore_mem>>
      %dma_start3A_26 = arith.constant 0 : i32
      %dma_start3A_27 = arith.constant 0 : i32
      %dma_start3A_28 = tpu.memref_slice %arg12[%dma_start3A_26, %dma_start3A_27] : memref<10240x128xf32, #tpu.memory_space<vmem_shared>> -> memref<10240x128xf32, #tpu.memory_space<vmem_shared>>
      tpu.enqueue_indirect_dma source(%arg11 : memref<16x128xf32, #tpu.memory_space<vmem>>) target(%dma_start3A_28 : memref<10240x128xf32, #tpu.memory_space<vmem_shared>>) offsets(%arg9 : memref<16xi32, #tpu.memory_space<vmem>>) semaphore(%run_scoped3A : memref<!tpu.dma_semaphore, #tpu.memory_space<semaphore_mem>>) {add = true}
      %dma_wait3A_29 = arith.constant 0 : i32
      %dma_wait3A_30 = arith.constant 0 : i32
      %dma_wait3A_31 = tpu.memref_slice %arg12[%dma_wait3A_29, %dma_wait3A_30] : memref<10240x128xf32, #tpu.memory_space<vmem_shared>> -> memref<10240x128xf32, #tpu.memory_space<vmem_shared>>
      tpu.wait_indirect_dma semaphore(%run_scoped3A : memref<!tpu.dma_semaphore, #tpu.memory_space<semaphore_mem>>) src(%arg11 : memref<16x128xf32, #tpu.memory_space<vmem>>) dst(%dma_wait3A_31 : memref<10240x128xf32, #tpu.memory_space<vmem_shared>>)
      tpu.yield
    }) : () -> ()
    %barrier3A_25 = arith.constant 0 : index
    tpu.barrier barrier_id(%barrier3A_25)
    "tpu.region"() ({
      %run_scoped3A = tpu.sem_alloc : memref<!tpu.dma_semaphore, #tpu.memory_space<semaphore_mem>>
      %dma_start3A_26 = arith.constant 0 : i32
      %dma_start3A_27 = tpu.memref_slice %arg5[%arg0, %mul3A_4, %dma_start3A_26] : memref<2x10240x128xf32, #tpu.memory_space<hbm>> -> memref<1x640x128xf32, #tpu.memory_space<hbm>>
      %dma_start3A_28 = tpu.memref_squeeze %dma_start3A_27 : memref<1x640x128xf32, #tpu.memory_space<hbm>> -> memref<640x128xf32, #tpu.memory_space<hbm>>
      %dma_start3A_29 = arith.constant 0 : i32
      %dma_start3A_30 = tpu.memref_slice %arg12[%mul3A_4, %dma_start3A_29] : memref<10240x128xf32, #tpu.memory_space<vmem_shared>> -> memref<640x128xf32, #tpu.memory_space<vmem_shared>>
      tpu.enqueue_dma source(%dma_start3A_30 : memref<640x128xf32, #tpu.memory_space<vmem_shared>>) target(%dma_start3A_28 : memref<640x128xf32, #tpu.memory_space<hbm>>) target_semaphore(%run_scoped3A : memref<!tpu.dma_semaphore, #tpu.memory_space<semaphore_mem>>)
      %dma_wait3A_31 = arith.constant 0 : i32
      %dma_wait3A_32 = tpu.memref_slice %arg5[%arg0, %mul3A_4, %dma_wait3A_31] : memref<2x10240x128xf32, #tpu.memory_space<hbm>> -> memref<1x640x128xf32, #tpu.memory_space<hbm>>
      %dma_wait3A_33 = tpu.memref_squeeze %dma_wait3A_32 : memref<1x640x128xf32, #tpu.memory_space<hbm>> -> memref<640x128xf32, #tpu.memory_space<hbm>>
      %dma_wait3A_34 = arith.constant 0 : i32
      %dma_wait3A_35 = tpu.memref_slice %arg12[%mul3A_4, %dma_wait3A_34] : memref<10240x128xf32, #tpu.memory_space<vmem_shared>> -> memref<640x128xf32, #tpu.memory_space<vmem_shared>>
      tpu.wait_dma2 semaphore(%run_scoped3A : memref<!tpu.dma_semaphore, #tpu.memory_space<semaphore_mem>>) src(%dma_wait3A_35 : memref<640x128xf32, #tpu.memory_space<vmem_shared>>) dst(%dma_wait3A_33 : memref<640x128xf32, #tpu.memory_space<hbm>>)
      tpu.yield
    }) : () -> ()
    return
  }
}

#map = affine_map<(d0, d1) -> (0)>
#map1 = affine_map<(d0, d1) -> (0, 0)>
#map2 = affine_map<(d0, d1) -> (0, 0, 0)>
module attributes {stable_mosaic.version = 14 : i64} {
  func.func @_agg(%arg0: i32, %arg1: i32, %arg2: memref<320000xi32, #tpu.memory_space<hbm>>, %arg3: memref<320000xi32, #tpu.memory_space<hbm>>, %arg4: memref<10000x128xf32, #tpu.memory_space<hbm>>, %arg5: memref<2x10240x128xf32, #tpu.memory_space<hbm>>, %arg6: memref<128xi32, #tpu.memory_space<vmem>>, %arg7: memref<128xi32, #tpu.memory_space<vmem>>, %arg8: memref<16xi32, #tpu.memory_space<vmem>>, %arg9: memref<16xi32, #tpu.memory_space<vmem>>, %arg10: memref<128x128xf32, #tpu.memory_space<vmem>>, %arg11: memref<16x128xf32, #tpu.memory_space<vmem>>, %arg12: memref<10240x128xf32, #tpu.memory_space<vmem_shared>>, %arg13: memref<!tpu.dma_semaphore, #tpu.memory_space<semaphore_mem>>) attributes {dimension_semantics = [#tpu.dimension_semantics<core_parallel>, #tpu.dimension_semantics<subcore_parallel>], iteration_bounds = array<i64: 2, 16>, scalar_prefetch = 0 : i64, scratch_operands = 8 : i64, tpu.core_type = #tpu.core_type<sc_vector_subcore>, window_params = [{transform_indices = #map}, {transform_indices = #map}, {transform_indices = #map1}, {transform_indices = #map2}]} {
    %scan3A = arith.constant 0 : i32
    %scan3A_0 = arith.constant 128 : i32
    %scan3A_1 = arith.addi %scan3A, %scan3A_0 : i32
    %scan3A_2 = arith.constant 1 : i32
    scf.for %scan3A_26 = %scan3A to %scan3A_1 step %scan3A_2  : i32 {
      %mul3A_27 = arith.constant 1 : i32
      %mul3A_28 = arith.muli %scan3A_26, %mul3A_27 : i32
      %add3A_29 = arith.constant 0 : i32
      %add3A_30 = arith.addi %add3A_29, %mul3A_28 : i32
      %scan3A_31 = arith.constant 0 : i32
      %scan3A_32 = arith.constant 8 : i32
      %scan3A_33 = arith.addi %scan3A_31, %scan3A_32 : i32
      %scan3A_34 = arith.constant 1 : i32
      scf.for %scan3A_36 = %scan3A_31 to %scan3A_33 step %scan3A_34  : i32 {
        %mul3A_37 = arith.constant 1 : i32
        %mul3A_38 = arith.muli %scan3A_36, %mul3A_37 : i32
        %add3A_39 = arith.constant 0 : i32
        %add3A_40 = arith.addi %add3A_39, %mul3A_38 : i32
        %broadcast_in_dim3A = arith.constant 0.000000e+00 : f32
        %broadcast_in_dim3A_41 = vector.broadcast %broadcast_in_dim3A : f32 to vector<16xf32>
        %mul3A_42 = arith.constant 16 : i32
        %mul3A_43 = arith.muli %add3A_40, %mul3A_42 : i32
        %swap3A = arith.index_cast %add3A_30 : i32 to index
        %swap3A_44 = arith.index_cast %mul3A_43 : i32 to index
        %swap3A_45 = tpu.vector_load %arg10[%swap3A, %swap3A_44] {strides = array<i32>} : memref<128x128xf32, #tpu.memory_space<vmem>>, vector<1x16xf32>,
        %swap3A_46 = vector.shape_cast %swap3A_45 : vector<1x16xf32> to vector<16xf32>
        %swap3A_47 = vector.shape_cast %broadcast_in_dim3A_41 : vector<16xf32> to vector<1x16xf32>
        tpu.vector_store %arg10[%swap3A, %swap3A_44], %swap3A_47 {strides = array<i32>} : memref<128x128xf32, #tpu.memory_space<vmem>>, vector<1x16xf32>,
      }
      %scan3A_35 = arith.constant 8 : i32
    }
    %scan3A_3 = arith.constant 128 : i32
    %mul3A = arith.constant 640 : i32
    %mul3A_4 = arith.muli %arg1, %mul3A : i32
    %scan3A_5 = arith.constant 0 : i32
    %scan3A_6 = arith.constant 5 : i32
    %scan3A_7 = arith.addi %scan3A_5, %scan3A_6 : i32
    %scan3A_8 = arith.constant 1 : i32
    scf.for %scan3A_26 = %scan3A_5 to %scan3A_7 step %scan3A_8  : i32 {
      %mul3A_27 = arith.constant 1 : i32
      %mul3A_28 = arith.muli %scan3A_26, %mul3A_27 : i32
      %add3A_29 = arith.constant 0 : i32
      %add3A_30 = arith.addi %add3A_29, %mul3A_28 : i32
      %mul3A_31 = arith.constant 128 : i32
      %mul3A_32 = arith.muli %add3A_30, %mul3A_31 : i32
      %add3A_33 = arith.addi %mul3A_4, %mul3A_32 : i32
      "tpu.region"() ({
        %run_scoped3A = tpu.sem_alloc : memref<!tpu.dma_semaphore, #tpu.memory_space<semaphore_mem>>
        %dma_start3A_34 = arith.constant 0 : i32
        %dma_start3A_35 = tpu.memref_slice %arg12[%add3A_33, %dma_start3A_34] : memref<10240x128xf32, #tpu.memory_space<vmem_shared>> -> memref<128x128xf32, #tpu.memory_space<vmem_shared>>
        %dma_start3A_36 = arith.constant 0 : i32
        %dma_start3A_37 = tpu.memref_slice %arg12[%add3A_33, %dma_start3A_36] : memref<10240x128xf32, #tpu.memory_space<vmem_shared>> -> memref<128x128xf32, #tpu.memory_space<vmem_shared>>
        tpu.enqueue_dma source(%arg10 : memref<128x128xf32, #tpu.memory_space<vmem>>) target(%dma_start3A_37 : memref<128x128xf32, #tpu.memory_space<vmem_shared>>) target_semaphore(%run_scoped3A : memref<!tpu.dma_semaphore, #tpu.memory_space<semaphore_mem>>)
        %dma_wait3A_38 = arith.constant 0 : i32
        %dma_wait3A_39 = tpu.memref_slice %arg12[%add3A_33, %dma_wait3A_38] : memref<10240x128xf32, #tpu.memory_space<vmem_shared>> -> memref<128x128xf32, #tpu.memory_space<vmem_shared>>
        %dma_wait3A_40 = arith.constant 0 : i32
        %dma_wait3A_41 = tpu.memref_slice %arg12[%add3A_33, %dma_wait3A_40] : memref<10240x128xf32, #tpu.memory_space<vmem_shared>> -> memref<128x128xf32, #tpu.memory_space<vmem_shared>>
        tpu.wait_dma2 semaphore(%run_scoped3A : memref<!tpu.dma_semaphore, #tpu.memory_space<semaphore_mem>>) src(%arg10 : memref<128x128xf32, #tpu.memory_space<vmem>>) dst(%dma_wait3A_41 : memref<128x128xf32, #tpu.memory_space<vmem_shared>>)
        tpu.yield
      }) : () -> ()
    }
    %scan3A_9 = arith.constant 5 : i32
    %barrier3A = arith.constant 0 : index
    tpu.barrier barrier_id(%barrier3A)
    %mul3A_10 = arith.constant 160000 : i32
    %mul3A_11 = arith.muli %arg0, %mul3A_10 : i32
    %mul3A_12 = arith.constant 10000 : i32
    %mul3A_13 = arith.muli %arg1, %mul3A_12 : i32
    %add3A = arith.addi %mul3A_11, %mul3A_13 : i32
    %scan3A_14 = arith.constant 0 : i32
    %scan3A_15 = arith.constant 78 : i32
    %scan3A_16 = arith.addi %scan3A_14, %scan3A_15 : i32
    %scan3A_17 = arith.constant 1 : i32
    scf.for %scan3A_26 = %scan3A_14 to %scan3A_16 step %scan3A_17  : i32 {
      %mul3A_27 = arith.constant 1 : i32
      %mul3A_28 = arith.muli %scan3A_26, %mul3A_27 : i32
      %add3A_29 = arith.constant 0 : i32
      %add3A_30 = arith.addi %add3A_29, %mul3A_28 : i32
      %mul3A_31 = arith.constant 128 : i32
      %mul3A_32 = arith.muli %add3A_30, %mul3A_31 : i32
      %add3A_33 = arith.addi %add3A, %mul3A_32 : i32
      "tpu.region"() ({
        %run_scoped3A = tpu.sem_alloc : memref<!tpu.dma_semaphore, #tpu.memory_space<semaphore_mem>>
        %dma_start3A_43 = tpu.memref_slice %arg2[%add3A_33] : memref<320000xi32, #tpu.memory_space<hbm>> -> memref<128xi32, #tpu.memory_space<hbm>>
        %dma_start3A_44 = tpu.memref_slice %arg2[%add3A_33] : memref<320000xi32, #tpu.memory_space<hbm>> -> memref<128xi32, #tpu.memory_space<hbm>>
        tpu.enqueue_dma source(%dma_start3A_44 : memref<128xi32, #tpu.memory_space<hbm>>) target(%arg6 : memref<128xi32, #tpu.memory_space<vmem>>) target_semaphore(%run_scoped3A : memref<!tpu.dma_semaphore, #tpu.memory_space<semaphore_mem>>)
        %dma_wait3A_45 = tpu.memref_slice %arg2[%add3A_33] : memref<320000xi32, #tpu.memory_space<hbm>> -> memref<128xi32, #tpu.memory_space<hbm>>
        %dma_wait3A_46 = tpu.memref_slice %arg2[%add3A_33] : memref<320000xi32, #tpu.memory_space<hbm>> -> memref<128xi32, #tpu.memory_space<hbm>>
        tpu.wait_dma2 semaphore(%run_scoped3A : memref<!tpu.dma_semaphore, #tpu.memory_space<semaphore_mem>>) src(%dma_wait3A_46 : memref<128xi32, #tpu.memory_space<hbm>>) dst(%arg6 : memref<128xi32, #tpu.memory_space<vmem>>)
        tpu.yield
      }) : () -> ()
      %mul3A_34 = arith.constant 128 : i32
      %mul3A_35 = arith.muli %add3A_30, %mul3A_34 : i32
      %add3A_36 = arith.addi %add3A, %mul3A_35 : i32
      "tpu.region"() ({
        %run_scoped3A = tpu.sem_alloc : memref<!tpu.dma_semaphore, #tpu.memory_space<semaphore_mem>>
        %dma_start3A_43 = tpu.memref_slice %arg3[%add3A_36] : memref<320000xi32, #tpu.memory_space<hbm>> -> memref<128xi32, #tpu.memory_space<hbm>>
        %dma_start3A_44 = tpu.memref_slice %arg3[%add3A_36] : memref<320000xi32, #tpu.memory_space<hbm>> -> memref<128xi32, #tpu.memory_space<hbm>>
        tpu.enqueue_dma source(%dma_start3A_44 : memref<128xi32, #tpu.memory_space<hbm>>) target(%arg7 : memref<128xi32, #tpu.memory_space<vmem>>) target_semaphore(%run_scoped3A : memref<!tpu.dma_semaphore, #tpu.memory_space<semaphore_mem>>)
        %dma_wait3A_45 = tpu.memref_slice %arg3[%add3A_36] : memref<320000xi32, #tpu.memory_space<hbm>> -> memref<128xi32, #tpu.memory_space<hbm>>
        %dma_wait3A_46 = tpu.memref_slice %arg3[%add3A_36] : memref<320000xi32, #tpu.memory_space<hbm>> -> memref<128xi32, #tpu.memory_space<hbm>>
        tpu.wait_dma2 semaphore(%run_scoped3A : memref<!tpu.dma_semaphore, #tpu.memory_space<semaphore_mem>>) src(%dma_wait3A_46 : memref<128xi32, #tpu.memory_space<hbm>>) dst(%arg7 : memref<128xi32, #tpu.memory_space<vmem>>)
        tpu.yield
      }) : () -> ()
      %dma_start3A_37 = arith.constant 0 : i32
      %dma_start3A_38 = arith.constant 0 : i32
      %dma_start3A_39 = tpu.memref_slice %arg4[%dma_start3A_37, %dma_start3A_38] : memref<10000x128xf32, #tpu.memory_space<hbm>> -> memref<10000x128xf32, #tpu.memory_space<hbm>>
      tpu.enqueue_indirect_dma source(%dma_start3A_39 : memref<10000x128xf32, #tpu.memory_space<hbm>>) target(%arg10 : memref<128x128xf32, #tpu.memory_space<vmem>>) offsets(%arg6 : memref<128xi32, #tpu.memory_space<vmem>>) semaphore(%arg13 : memref<!tpu.dma_semaphore, #tpu.memory_space<semaphore_mem>>)
      %dma_wait3A_40 = arith.constant 0 : i32
      %dma_wait3A_41 = arith.constant 0 : i32
      %dma_wait3A_42 = tpu.memref_slice %arg4[%dma_wait3A_40, %dma_wait3A_41] : memref<10000x128xf32, #tpu.memory_space<hbm>> -> memref<10000x128xf32, #tpu.memory_space<hbm>>
      tpu.wait_indirect_dma semaphore(%arg13 : memref<!tpu.dma_semaphore, #tpu.memory_space<semaphore_mem>>) src(%dma_wait3A_42 : memref<10000x128xf32, #tpu.memory_space<hbm>>) dst(%arg10 : memref<128x128xf32, #tpu.memory_space<vmem>>)
      "tpu.region"() ({
        %run_scoped3A = tpu.sem_alloc : memref<!tpu.dma_semaphore, #tpu.memory_space<semaphore_mem>>
        %dma_start3A_43 = arith.constant 0 : i32
        %dma_start3A_44 = arith.constant 0 : i32
        %dma_start3A_45 = tpu.memref_slice %arg12[%dma_start3A_43, %dma_start3A_44] : memref<10240x128xf32, #tpu.memory_space<vmem_shared>> -> memref<10240x128xf32, #tpu.memory_space<vmem_shared>>
        tpu.enqueue_indirect_dma source(%arg10 : memref<128x128xf32, #tpu.memory_space<vmem>>) target(%dma_start3A_45 : memref<10240x128xf32, #tpu.memory_space<vmem_shared>>) offsets(%arg7 : memref<128xi32, #tpu.memory_space<vmem>>) semaphore(%run_scoped3A : memref<!tpu.dma_semaphore, #tpu.memory_space<semaphore_mem>>) {add = true}
        %dma_wait3A_46 = arith.constant 0 : i32
        %dma_wait3A_47 = arith.constant 0 : i32
        %dma_wait3A_48 = tpu.memref_slice %arg12[%dma_wait3A_46, %dma_wait3A_47] : memref<10240x128xf32, #tpu.memory_space<vmem_shared>> -> memref<10240x128xf32, #tpu.memory_space<vmem_shared>>
        tpu.wait_indirect_dma semaphore(%run_scoped3A : memref<!tpu.dma_semaphore, #tpu.memory_space<semaphore_mem>>) src(%arg10 : memref<128x128xf32, #tpu.memory_space<vmem>>) dst(%dma_wait3A_48 : memref<10240x128xf32, #tpu.memory_space<vmem_shared>>)
        tpu.yield
      }) : () -> ()
    }
    %scan3A_18 = arith.constant 78 : i32
    %add3A_19 = arith.constant 9984 : i32
    %add3A_20 = arith.addi %add3A, %add3A_19 : i32
    "tpu.region"() ({
      %run_scoped3A = tpu.sem_alloc : memref<!tpu.dma_semaphore, #tpu.memory_space<semaphore_mem>>
      %dma_start3A_26 = tpu.memref_slice %arg2[%add3A_20] : memref<320000xi32, #tpu.memory_space<hbm>> -> memref<16xi32, #tpu.memory_space<hbm>>
      %dma_start3A_27 = tpu.memref_slice %arg2[%add3A_20] : memref<320000xi32, #tpu.memory_space<hbm>> -> memref<16xi32, #tpu.memory_space<hbm>>
      tpu.enqueue_dma source(%dma_start3A_27 : memref<16xi32, #tpu.memory_space<hbm>>) target(%arg8 : memref<16xi32, #tpu.memory_space<vmem>>) target_semaphore(%run_scoped3A : memref<!tpu.dma_semaphore, #tpu.memory_space<semaphore_mem>>)
      %dma_wait3A_28 = tpu.memref_slice %arg2[%add3A_20] : memref<320000xi32, #tpu.memory_space<hbm>> -> memref<16xi32, #tpu.memory_space<hbm>>
      %dma_wait3A_29 = tpu.memref_slice %arg2[%add3A_20] : memref<320000xi32, #tpu.memory_space<hbm>> -> memref<16xi32, #tpu.memory_space<hbm>>
      tpu.wait_dma2 semaphore(%run_scoped3A : memref<!tpu.dma_semaphore, #tpu.memory_space<semaphore_mem>>) src(%dma_wait3A_29 : memref<16xi32, #tpu.memory_space<hbm>>) dst(%arg8 : memref<16xi32, #tpu.memory_space<vmem>>)
      tpu.yield
    }) : () -> ()
    "tpu.region"() ({
      %run_scoped3A = tpu.sem_alloc : memref<!tpu.dma_semaphore, #tpu.memory_space<semaphore_mem>>
      %dma_start3A_26 = tpu.memref_slice %arg3[%add3A_20] : memref<320000xi32, #tpu.memory_space<hbm>> -> memref<16xi32, #tpu.memory_space<hbm>>
      %dma_start3A_27 = tpu.memref_slice %arg3[%add3A_20] : memref<320000xi32, #tpu.memory_space<hbm>> -> memref<16xi32, #tpu.memory_space<hbm>>
      tpu.enqueue_dma source(%dma_start3A_27 : memref<16xi32, #tpu.memory_space<hbm>>) target(%arg9 : memref<16xi32, #tpu.memory_space<vmem>>) target_semaphore(%run_scoped3A : memref<!tpu.dma_semaphore, #tpu.memory_space<semaphore_mem>>)
      %dma_wait3A_28 = tpu.memref_slice %arg3[%add3A_20] : memref<320000xi32, #tpu.memory_space<hbm>> -> memref<16xi32, #tpu.memory_space<hbm>>
      %dma_wait3A_29 = tpu.memref_slice %arg3[%add3A_20] : memref<320000xi32, #tpu.memory_space<hbm>> -> memref<16xi32, #tpu.memory_space<hbm>>
      tpu.wait_dma2 semaphore(%run_scoped3A : memref<!tpu.dma_semaphore, #tpu.memory_space<semaphore_mem>>) src(%dma_wait3A_29 : memref<16xi32, #tpu.memory_space<hbm>>) dst(%arg9 : memref<16xi32, #tpu.memory_space<vmem>>)
      tpu.yield
    }) : () -> ()
    %dma_start3A = arith.constant 0 : i32
    %dma_start3A_21 = arith.constant 0 : i32
    %dma_start3A_22 = tpu.memref_slice %arg4[%dma_start3A, %dma_start3A_21] : memref<10000x128xf32, #tpu.memory_space<hbm>> -> memref<10000x128xf32, #tpu.memory_space<hbm>>
    tpu.enqueue_indirect_dma source(%dma_start3A_22 : memref<10000x128xf32, #tpu.memory_space<hbm>>) target(%arg11 : memref<16x128xf32, #tpu.memory_space<vmem>>) offsets(%arg8 : memref<16xi32, #tpu.memory_space<vmem>>) semaphore(%arg13 : memref<!tpu.dma_semaphore, #tpu.memory_space<semaphore_mem>>)
    %dma_wait3A = arith.constant 0 : i32
    %dma_wait3A_23 = arith.constant 0 : i32
    %dma_wait3A_24 = tpu.memref_slice %arg4[%dma_wait3A, %dma_wait3A_23] : memref<10000x128xf32, #tpu.memory_space<hbm>> -> memref<10000x128xf32, #tpu.memory_space<hbm>>
    tpu.wait_indirect_dma semaphore(%arg13 : memref<!tpu.dma_semaphore, #tpu.memory_space<semaphore_mem>>) src(%dma_wait3A_24 : memref<10000x128xf32, #tpu.memory_space<hbm>>) dst(%arg11 : memref<16x128xf32, #tpu.memory_space<vmem>>)
    "tpu.region"() ({
      %run_scoped3A = tpu.sem_alloc : memref<!tpu.dma_semaphore, #tpu.memory_space<semaphore_mem>>
      %dma_start3A_26 = arith.constant 0 : i32
      %dma_start3A_27 = arith.constant 0 : i32
      %dma_start3A_28 = tpu.memref_slice %arg12[%dma_start3A_26, %dma_start3A_27] : memref<10240x128xf32, #tpu.memory_space<vmem_shared>> -> memref<10240x128xf32, #tpu.memory_space<vmem_shared>>
      tpu.enqueue_indirect_dma source(%arg11 : memref<16x128xf32, #tpu.memory_space<vmem>>) target(%dma_start3A_28 : memref<10240x128xf32, #tpu.memory_space<vmem_shared>>) offsets(%arg9 : memref<16xi32, #tpu.memory_space<vmem>>) semaphore(%run_scoped3A : memref<!tpu.dma_semaphore, #tpu.memory_space<semaphore_mem>>) {add = true}
      %dma_wait3A_29 = arith.constant 0 : i32
      %dma_wait3A_30 = arith.constant 0 : i32
      %dma_wait3A_31 = tpu.memref_slice %arg12[%dma_wait3A_29, %dma_wait3A_30] : memref<10240x128xf32, #tpu.memory_space<vmem_shared>> -> memref<10240x128xf32, #tpu.memory_space<vmem_shared>>
      tpu.wait_indirect_dma semaphore(%run_scoped3A : memref<!tpu.dma_semaphore, #tpu.memory_space<semaphore_mem>>) src(%arg11 : memref<16x128xf32, #tpu.memory_space<vmem>>) dst(%dma_wait3A_31 : memref<10240x128xf32, #tpu.memory_space<vmem_shared>>)
      tpu.yield
    }) : () -> ()
    %barrier3A_25 = arith.constant 0 : index
    tpu.barrier barrier_id(%barrier3A_25)
    "tpu.region"() ({
      %run_scoped3A = tpu.sem_alloc : memref<!tpu.dma_semaphore, #tpu.memory_space<semaphore_mem>>
      %dma_start3A_26 = arith.constant 0 : i32
      %dma_start3A_27 = tpu.memref_slice %arg5[%arg0, %mul3A_4, %dma_start3A_26] : memref<2x10240x128xf32, #tpu.memory_space<hbm>> -> memref<1x640x128xf32, #tpu.memory_space<hbm>>
      %dma_start3A_28 = tpu.memref_squeeze %dma_start3A_27 : memref<1x640x128xf32, #tpu.memory_space<hbm>> -> memref<640x128xf32, #tpu.memory_space<hbm>>
      %dma_start3A_29 = arith.constant 0 : i32
      %dma_start3A_30 = tpu.memref_slice %arg12[%mul3A_4, %dma_start3A_29] : memref<10240x128xf32, #tpu.memory_space<vmem_shared>> -> memref<640x128xf32, #tpu.memory_space<vmem_shared>>
      tpu.enqueue_dma source(%dma_start3A_30 : memref<640x128xf32, #tpu.memory_space<vmem_shared>>) target(%dma_start3A_28 : memref<640x128xf32, #tpu.memory_space<hbm>>) target_semaphore(%run_scoped3A : memref<!tpu.dma_semaphore, #tpu.memory_space<semaphore_mem>>)
      %dma_wait3A_31 = arith.constant 0 : i32
      %dma_wait3A_32 = tpu.memref_slice %arg5[%arg0, %mul3A_4, %dma_wait3A_31] : memref<2x10240x128xf32, #tpu.memory_space<hbm>> -> memref<1x640x128xf32, #tpu.memory_space<hbm>>
      %dma_wait3A_33 = tpu.memref_squeeze %dma_wait3A_32 : memref<1x640x128xf32, #tpu.memory_space<hbm>> -> memref<640x128xf32, #tpu.memory_space<hbm>>
      %dma_wait3A_34 = arith.constant 0 : i32
      %dma_wait3A_35 = tpu.memref_slice %arg12[%mul3A_4, %dma_wait3A_34] : memref<10240x128xf32, #tpu.memory_space<vmem_shared>> -> memref<640x128xf32, #tpu.memory_space<vmem_shared>>
      tpu.wait_dma2 semaphore(%run_scoped3A : memref<!tpu.dma_semaphore, #tpu.memory_space<semaphore_mem>>) src(%dma_wait3A_35 : memref<640x128xf32, #tpu.memory_space<vmem_shared>>) dst(%dma_wait3A_33 : memref<640x128xf32, #tpu.memory_space<hbm>>)
      tpu.yield
    }) : () -> ()
    return
  }
}

#map = affine_map<(d0, d1) -> (0)>
#map1 = affine_map<(d0, d1) -> (0, 0)>
module attributes {stable_mosaic.version = 14 : i64} {
  func.func @_deg_kernel(%arg0: i32, %arg1: i32, %arg2: memref<320000xi32, #tpu.memory_space<hbm>>, %arg3: memref<2x10240xf32, #tpu.memory_space<hbm>>, %arg4: memref<128xi32, #tpu.memory_space<vmem>>, %arg5: memref<16xi32, #tpu.memory_space<vmem>>, %arg6: memref<128xf32, #tpu.memory_space<vmem>>, %arg7: memref<640xf32, #tpu.memory_space<vmem>>, %arg8: memref<10240xf32, #tpu.memory_space<vmem_shared>>, %arg9: memref<!tpu.dma_semaphore, #tpu.memory_space<semaphore_mem>>) attributes {dimension_semantics = [#tpu.dimension_semantics<core_parallel>, #tpu.dimension_semantics<subcore_parallel>], iteration_bounds = array<i64: 2, 16>, scalar_prefetch = 0 : i64, scratch_operands = 6 : i64, tpu.core_type = #tpu.core_type<sc_vector_subcore>, window_params = [{transform_indices = #map}, {transform_indices = #map1}]} {
    %scan3A = arith.constant 0 : i32
    %scan3A_0 = arith.constant 40 : i32
    %scan3A_1 = arith.addi %scan3A, %scan3A_0 : i32
    %scan3A_2 = arith.constant 1 : i32
    scf.for %scan3A_22 = %scan3A to %scan3A_1 step %scan3A_2  : i32 {
      %mul3A_23 = arith.constant 1 : i32
      %mul3A_24 = arith.muli %scan3A_22, %mul3A_23 : i32
      %add3A_25 = arith.constant 0 : i32
      %add3A_26 = arith.addi %add3A_25, %mul3A_24 : i32
      %broadcast_in_dim3A = arith.constant 0.000000e+00 : f32
      %broadcast_in_dim3A_27 = vector.broadcast %broadcast_in_dim3A : f32 to vector<16xf32>
      %mul3A_28 = arith.constant 16 : i32
      %mul3A_29 = arith.muli %add3A_26, %mul3A_28 : i32
      %swap3A = arith.index_cast %mul3A_29 : i32 to index
      %swap3A_30 = tpu.vector_load %arg7[%swap3A] {strides = array<i32>} : memref<640xf32, #tpu.memory_space<vmem>>, vector<16xf32>,
      %swap3A_31 = vector.shape_cast %swap3A_30 : vector<16xf32> to vector<16xf32>
      %swap3A_32 = vector.shape_cast %broadcast_in_dim3A_27 : vector<16xf32> to vector<16xf32>
      tpu.vector_store %arg7[%swap3A], %swap3A_32 {strides = array<i32>} : memref<640xf32, #tpu.memory_space<vmem>>, vector<16xf32>,
    }
    %scan3A_3 = arith.constant 40 : i32
    %scan3A_4 = arith.constant 0 : i32
    %scan3A_5 = arith.constant 8 : i32
    %scan3A_6 = arith.addi %scan3A_4, %scan3A_5 : i32
    %scan3A_7 = arith.constant 1 : i32
    scf.for %scan3A_22 = %scan3A_4 to %scan3A_6 step %scan3A_7  : i32 {
      %mul3A_23 = arith.constant 1 : i32
      %mul3A_24 = arith.muli %scan3A_22, %mul3A_23 : i32
      %add3A_25 = arith.constant 0 : i32
      %add3A_26 = arith.addi %add3A_25, %mul3A_24 : i32
      %broadcast_in_dim3A = arith.constant 1.000000e+00 : f32
      %broadcast_in_dim3A_27 = vector.broadcast %broadcast_in_dim3A : f32 to vector<16xf32>
      %mul3A_28 = arith.constant 16 : i32
      %mul3A_29 = arith.muli %add3A_26, %mul3A_28 : i32
      %swap3A = arith.index_cast %mul3A_29 : i32 to index
      %swap3A_30 = tpu.vector_load %arg6[%swap3A] {strides = array<i32>} : memref<128xf32, #tpu.memory_space<vmem>>, vector<16xf32>,
      %swap3A_31 = vector.shape_cast %swap3A_30 : vector<16xf32> to vector<16xf32>
      %swap3A_32 = vector.shape_cast %broadcast_in_dim3A_27 : vector<16xf32> to vector<16xf32>
      tpu.vector_store %arg6[%swap3A], %swap3A_32 {strides = array<i32>} : memref<128xf32, #tpu.memory_space<vmem>>, vector<16xf32>,
    }
    %scan3A_8 = arith.constant 8 : i32
    %mul3A = arith.constant 640 : i32
    %mul3A_9 = arith.muli %arg1, %mul3A : i32
    "tpu.region"() ({
      %run_scoped3A = tpu.sem_alloc : memref<!tpu.dma_semaphore, #tpu.memory_space<semaphore_mem>>
      %dma_start3A = tpu.memref_slice %arg8[%mul3A_9] : memref<10240xf32, #tpu.memory_space<vmem_shared>> -> memref<640xf32, #tpu.memory_space<vmem_shared>>
      %dma_start3A_22 = tpu.memref_slice %arg8[%mul3A_9] : memref<10240xf32, #tpu.memory_space<vmem_shared>> -> memref<640xf32, #tpu.memory_space<vmem_shared>>
      tpu.enqueue_dma source(%arg7 : memref<640xf32, #tpu.memory_space<vmem>>) target(%dma_start3A_22 : memref<640xf32, #tpu.memory_space<vmem_shared>>) target_semaphore(%run_scoped3A : memref<!tpu.dma_semaphore, #tpu.memory_space<semaphore_mem>>)
      %dma_wait3A = tpu.memref_slice %arg8[%mul3A_9] : memref<10240xf32, #tpu.memory_space<vmem_shared>> -> memref<640xf32, #tpu.memory_space<vmem_shared>>
      %dma_wait3A_23 = tpu.memref_slice %arg8[%mul3A_9] : memref<10240xf32, #tpu.memory_space<vmem_shared>> -> memref<640xf32, #tpu.memory_space<vmem_shared>>
      tpu.wait_dma2 semaphore(%run_scoped3A : memref<!tpu.dma_semaphore, #tpu.memory_space<semaphore_mem>>) src(%arg7 : memref<640xf32, #tpu.memory_space<vmem>>) dst(%dma_wait3A_23 : memref<640xf32, #tpu.memory_space<vmem_shared>>)
      tpu.yield
    }) : () -> ()
    %barrier3A = arith.constant 0 : index
    tpu.barrier barrier_id(%barrier3A)
    %mul3A_10 = arith.constant 160000 : i32
    %mul3A_11 = arith.muli %arg0, %mul3A_10 : i32
    %mul3A_12 = arith.constant 10000 : i32
    %mul3A_13 = arith.muli %arg1, %mul3A_12 : i32
    %add3A = arith.addi %mul3A_11, %mul3A_13 : i32
    %scan3A_14 = arith.constant 0 : i32
    %scan3A_15 = arith.constant 78 : i32
    %scan3A_16 = arith.addi %scan3A_14, %scan3A_15 : i32
    %scan3A_17 = arith.constant 1 : i32
    scf.for %scan3A_22 = %scan3A_14 to %scan3A_16 step %scan3A_17  : i32 {
      %mul3A_23 = arith.constant 1 : i32
      %mul3A_24 = arith.muli %scan3A_22, %mul3A_23 : i32
      %add3A_25 = arith.constant 0 : i32
      %add3A_26 = arith.addi %add3A_25, %mul3A_24 : i32
      %mul3A_27 = arith.constant 128 : i32
      %mul3A_28 = arith.muli %add3A_26, %mul3A_27 : i32
      %add3A_29 = arith.addi %add3A, %mul3A_28 : i32
      "tpu.region"() ({
        %run_scoped3A = tpu.sem_alloc : memref<!tpu.dma_semaphore, #tpu.memory_space<semaphore_mem>>
        %dma_start3A = tpu.memref_slice %arg2[%add3A_29] : memref<320000xi32, #tpu.memory_space<hbm>> -> memref<128xi32, #tpu.memory_space<hbm>>
        %dma_start3A_30 = tpu.memref_slice %arg2[%add3A_29] : memref<320000xi32, #tpu.memory_space<hbm>> -> memref<128xi32, #tpu.memory_space<hbm>>
        tpu.enqueue_dma source(%dma_start3A_30 : memref<128xi32, #tpu.memory_space<hbm>>) target(%arg4 : memref<128xi32, #tpu.memory_space<vmem>>) target_semaphore(%run_scoped3A : memref<!tpu.dma_semaphore, #tpu.memory_space<semaphore_mem>>)
        %dma_wait3A = tpu.memref_slice %arg2[%add3A_29] : memref<320000xi32, #tpu.memory_space<hbm>> -> memref<128xi32, #tpu.memory_space<hbm>>
        %dma_wait3A_31 = tpu.memref_slice %arg2[%add3A_29] : memref<320000xi32, #tpu.memory_space<hbm>> -> memref<128xi32, #tpu.memory_space<hbm>>
        tpu.wait_dma2 semaphore(%run_scoped3A : memref<!tpu.dma_semaphore, #tpu.memory_space<semaphore_mem>>) src(%dma_wait3A_31 : memref<128xi32, #tpu.memory_space<hbm>>) dst(%arg4 : memref<128xi32, #tpu.memory_space<vmem>>)
        tpu.yield
      }) : () -> ()
      "tpu.region"() ({
        %run_scoped3A = tpu.sem_alloc : memref<!tpu.dma_semaphore, #tpu.memory_space<semaphore_mem>>
        %dma_start3A = arith.constant 0 : i32
        %dma_start3A_30 = tpu.memref_slice %arg8[%dma_start3A] : memref<10240xf32, #tpu.memory_space<vmem_shared>> -> memref<10240xf32, #tpu.memory_space<vmem_shared>>
        tpu.enqueue_indirect_dma source(%arg6 : memref<128xf32, #tpu.memory_space<vmem>>) target(%dma_start3A_30 : memref<10240xf32, #tpu.memory_space<vmem_shared>>) offsets(%arg4 : memref<128xi32, #tpu.memory_space<vmem>>) semaphore(%run_scoped3A : memref<!tpu.dma_semaphore, #tpu.memory_space<semaphore_mem>>) {add = true}
        %dma_wait3A = arith.constant 0 : i32
        %dma_wait3A_31 = tpu.memref_slice %arg8[%dma_wait3A] : memref<10240xf32, #tpu.memory_space<vmem_shared>> -> memref<10240xf32, #tpu.memory_space<vmem_shared>>
        tpu.wait_indirect_dma semaphore(%run_scoped3A : memref<!tpu.dma_semaphore, #tpu.memory_space<semaphore_mem>>) src(%arg6 : memref<128xf32, #tpu.memory_space<vmem>>) dst(%dma_wait3A_31 : memref<10240xf32, #tpu.memory_space<vmem_shared>>)
        tpu.yield
      }) : () -> ()
    }
    %scan3A_18 = arith.constant 78 : i32
    %add3A_19 = arith.constant 9984 : i32
    %add3A_20 = arith.addi %add3A, %add3A_19 : i32
    "tpu.region"() ({
      %run_scoped3A = tpu.sem_alloc : memref<!tpu.dma_semaphore, #tpu.memory_space<semaphore_mem>>
      %dma_start3A = tpu.memref_slice %arg2[%add3A_20] : memref<320000xi32, #tpu.memory_space<hbm>> -> memref<16xi32, #tpu.memory_space<hbm>>
      %dma_start3A_22 = tpu.memref_slice %arg2[%add3A_20] : memref<320000xi32, #tpu.memory_space<hbm>> -> memref<16xi32, #tpu.memory_space<hbm>>
      tpu.enqueue_dma source(%dma_start3A_22 : memref<16xi32, #tpu.memory_space<hbm>>) target(%arg5 : memref<16xi32, #tpu.memory_space<vmem>>) target_semaphore(%run_scoped3A : memref<!tpu.dma_semaphore, #tpu.memory_space<semaphore_mem>>)
      %dma_wait3A = tpu.memref_slice %arg2[%add3A_20] : memref<320000xi32, #tpu.memory_space<hbm>> -> memref<16xi32, #tpu.memory_space<hbm>>
      %dma_wait3A_23 = tpu.memref_slice %arg2[%add3A_20] : memref<320000xi32, #tpu.memory_space<hbm>> -> memref<16xi32, #tpu.memory_space<hbm>>
      tpu.wait_dma2 semaphore(%run_scoped3A : memref<!tpu.dma_semaphore, #tpu.memory_space<semaphore_mem>>) src(%dma_wait3A_23 : memref<16xi32, #tpu.memory_space<hbm>>) dst(%arg5 : memref<16xi32, #tpu.memory_space<vmem>>)
      tpu.yield
    }) : () -> ()
    "tpu.region"() ({
      %run_scoped3A = tpu.sem_alloc : memref<!tpu.dma_semaphore, #tpu.memory_space<semaphore_mem>>
      %dma_start3A = arith.constant 0 : i32
      %dma_start3A_22 = tpu.memref_slice %arg6[%dma_start3A] : memref<128xf32, #tpu.memory_space<vmem>> -> memref<16xf32, #tpu.memory_space<vmem>>
      %dma_start3A_23 = arith.constant 0 : i32
      %dma_start3A_24 = tpu.memref_slice %arg8[%dma_start3A_23] : memref<10240xf32, #tpu.memory_space<vmem_shared>> -> memref<10240xf32, #tpu.memory_space<vmem_shared>>
      tpu.enqueue_indirect_dma source(%dma_start3A_22 : memref<16xf32, #tpu.memory_space<vmem>>) target(%dma_start3A_24 : memref<10240xf32, #tpu.memory_space<vmem_shared>>) offsets(%arg5 : memref<16xi32, #tpu.memory_space<vmem>>) semaphore(%run_scoped3A : memref<!tpu.dma_semaphore, #tpu.memory_space<semaphore_mem>>) {add = true}
      %dma_wait3A = arith.constant 0 : i32
      %dma_wait3A_25 = tpu.memref_slice %arg6[%dma_wait3A] : memref<128xf32, #tpu.memory_space<vmem>> -> memref<16xf32, #tpu.memory_space<vmem>>
      %dma_wait3A_26 = arith.constant 0 : i32
      %dma_wait3A_27 = tpu.memref_slice %arg8[%dma_wait3A_26] : memref<10240xf32, #tpu.memory_space<vmem_shared>> -> memref<10240xf32, #tpu.memory_space<vmem_shared>>
      tpu.wait_indirect_dma semaphore(%run_scoped3A : memref<!tpu.dma_semaphore, #tpu.memory_space<semaphore_mem>>) src(%dma_wait3A_25 : memref<16xf32, #tpu.memory_space<vmem>>) dst(%dma_wait3A_27 : memref<10240xf32, #tpu.memory_space<vmem_shared>>)
      tpu.yield
    }) : () -> ()
    %barrier3A_21 = arith.constant 0 : index
    tpu.barrier barrier_id(%barrier3A_21)
    "tpu.region"() ({
      %run_scoped3A = tpu.sem_alloc : memref<!tpu.dma_semaphore, #tpu.memory_space<semaphore_mem>>
      %dma_start3A = tpu.memref_slice %arg3[%arg0, %mul3A_9] : memref<2x10240xf32, #tpu.memory_space<hbm>> -> memref<1x640xf32, #tpu.memory_space<hbm>>
      %dma_start3A_22 = tpu.memref_squeeze %dma_start3A : memref<1x640xf32, #tpu.memory_space<hbm>> -> memref<640xf32, #tpu.memory_space<hbm>>
      %dma_start3A_23 = tpu.memref_slice %arg8[%mul3A_9] : memref<10240xf32, #tpu.memory_space<vmem_shared>> -> memref<640xf32, #tpu.memory_space<vmem_shared>>
      tpu.enqueue_dma source(%dma_start3A_23 : memref<640xf32, #tpu.memory_space<vmem_shared>>) target(%dma_start3A_22 : memref<640xf32, #tpu.memory_space<hbm>>) target_semaphore(%run_scoped3A : memref<!tpu.dma_semaphore, #tpu.memory_space<semaphore_mem>>)
      %dma_wait3A = tpu.memref_slice %arg3[%arg0, %mul3A_9] : memref<2x10240xf32, #tpu.memory_space<hbm>> -> memref<1x640xf32, #tpu.memory_space<hbm>>
      %dma_wait3A_24 = tpu.memref_squeeze %dma_wait3A : memref<1x640xf32, #tpu.memory_space<hbm>> -> memref<640xf32, #tpu.memory_space<hbm>>
      %dma_wait3A_25 = tpu.memref_slice %arg8[%mul3A_9] : memref<10240xf32, #tpu.memory_space<vmem_shared>> -> memref<640xf32, #tpu.memory_space<vmem_shared>>
      tpu.wait_dma2 semaphore(%run_scoped3A : memref<!tpu.dma_semaphore, #tpu.memory_space<semaphore_mem>>) src(%dma_wait3A_25 : memref<640xf32, #tpu.memory_space<vmem_shared>>) dst(%dma_wait3A_24 : memref<640xf32, #tpu.memory_space<hbm>>)
      tpu.yield
    }) : () -> ()
    return
  }
}

module attributes {stable_mosaic.version = 14 : i64} {
  func.func @_pre_body(%arg0: i32, %arg1: memref<2x1000x1xf32, #tpu.memory_space<vmem>>, %arg2: memref<1000x128xf32, #tpu.memory_space<vmem>>, %arg3: memref<128x128xf32, #tpu.memory_space<vmem>>, %arg4: memref<1000x1xf32, #tpu.memory_space<vmem>>, %arg5: memref<1000x128xf32, #tpu.memory_space<vmem>>) attributes {dimension_semantics = [#tpu.dimension_semantics<arbitrary>], iteration_bounds = array<i64: 10>, scalar_prefetch = 0 : i64, scratch_operands = 0 : i64, tpu.core_type = #tpu.core_type<tc>, window_params = [{transform_indices = @transform_0, window_bounds = array<i64: 2, 1000, 1>}, {transform_indices = @transform_1, window_bounds = array<i64: 1000, 128>}, {pipeline_mode = #tpu.pipeline_mode<synchronous>, transform_indices = @transform_2, window_bounds = array<i64: 128, 128>}, {transform_indices = @transform_3, window_bounds = array<i64: 1000, 1>}, {transform_indices = @transform_4, window_bounds = array<i64: 1000, 128>}]} {
    %get3A = arith.constant 0 : index
    %get3A_0 = arith.constant 0 : index
    %get3A_1 = arith.constant 0 : index
    %get3A_2 = vector.load %arg1[%get3A, %get3A_0, %get3A_1] : memref<2x1000x1xf32, #tpu.memory_space<vmem>>, vector<1x1000x1xf32>
    %get3A_3 = vector.shape_cast %get3A_2 : vector<1x1000x1xf32> to vector<1000x1xf32>
    %get3A_4 = arith.constant 1 : index
    %get3A_5 = arith.constant 0 : index
    %get3A_6 = arith.constant 0 : index
    %get3A_7 = vector.load %arg1[%get3A_4, %get3A_5, %get3A_6] : memref<2x1000x1xf32, #tpu.memory_space<vmem>>, vector<1x1000x1xf32>
    %get3A_8 = vector.shape_cast %get3A_7 : vector<1x1000x1xf32> to vector<1000x1xf32>
    %add3A = arith.addf %get3A_3, %get3A_8 : vector<1000x1xf32>
    %add3A_9 = arith.constant 1.000000e+00 : f32
    %add3A_10 = vector.broadcast %add3A_9 : f32 to vector<1000x1xf32>
    %add3A_11 = arith.addf %add3A, %add3A_10 : vector<1000x1xf32>
    %rsqrt3A = math.rsqrt %add3A_11 : vector<1000x1xf32>
    %get3A_12 = arith.constant 0 : index
    %get3A_13 = arith.constant 0 : index
    %get3A_14 = vector.load %arg2[%get3A_12, %get3A_13] : memref<1000x128xf32, #tpu.memory_space<vmem>>, vector<1000x128xf32>
    %get3A_15 = arith.constant 0 : index
    %get3A_16 = arith.constant 0 : index
    %get3A_17 = vector.load %arg3[%get3A_15, %get3A_16] : memref<128x128xf32, #tpu.memory_space<vmem>>, vector<128x128xf32>
    %dot_general3A = arith.constant dense<0.000000e+00> : vector<1000x128xf32>
    %dot_general3A_18 = tpu.matmul %get3A_14, %get3A_17, %dot_general3A {dimension_numbers = #tpu.dot_dimension_numbers<[1], [0], [0], [1], [0, 0, 1, 1], [], []>, transpose_lhs_hint = false} : vector<1000x128xf32>, vector<128x128xf32>, vector<1000x128xf32> -> vector<1000x128xf32>
    %swap3A = arith.constant 0 : index
    %swap3A_19 = arith.constant 0 : index
    %swap3A_20 = vector.load %arg4[%swap3A, %swap3A_19] : memref<1000x1xf32, #tpu.memory_space<vmem>>, vector<1000x1xf32>
    tpu.vector_store %arg4[%swap3A, %swap3A_19], %rsqrt3A {strides = array<i32>} : memref<1000x1xf32, #tpu.memory_space<vmem>>, vector<1000x1xf32>,
    %mul3A = vector.broadcast %rsqrt3A : vector<1000x1xf32> to vector<1000x128xf32>
    %mul3A_21 = arith.mulf %dot_general3A_18, %mul3A : vector<1000x128xf32>
    %swap3A_22 = arith.constant 0 : index
    %swap3A_23 = arith.constant 0 : index
    %swap3A_24 = vector.load %arg5[%swap3A_22, %swap3A_23] : memref<1000x128xf32, #tpu.memory_space<vmem>>, vector<1000x128xf32>
    tpu.vector_store %arg5[%swap3A_22, %swap3A_23], %mul3A_21 {strides = array<i32>} : memref<1000x128xf32, #tpu.memory_space<vmem>>, vector<1000x128xf32>,
    return
  }
  func.func @transform_0(%arg0: i32) -> (i32, i32, i32) {
    %c0_i32 = arith.constant 0 : i32
    %c0_i32_0 = arith.constant 0 : i32
    %c0_i32_1 = arith.constant 0 : i32
    return %c0_i32, %arg0, %c0_i32_0 : i32, i32, i32
  }
  func.func @transform_1(%arg0: i32) -> (i32, i32) {
    %c0_i32 = arith.constant 0 : i32
    %c0_i32_0 = arith.constant 0 : i32
    return %arg0, %c0_i32 : i32, i32
  }
  func.func @transform_2(%arg0: i32) -> (i32, i32) {
    %c0_i32 = arith.constant 0 : i32
    %c0_i32_0 = arith.constant 0 : i32
    %c0_i32_1 = arith.constant 0 : i32
    return %c0_i32, %c0_i32_0 : i32, i32
  }
  func.func @transform_3(%arg0: i32) -> (i32, i32) {
    %c0_i32 = arith.constant 0 : i32
    %c0_i32_0 = arith.constant 0 : i32
    return %arg0, %c0_i32 : i32, i32
  }
  func.func @transform_4(%arg0: i32) -> (i32, i32) {
    %c0_i32 = arith.constant 0 : i32
    %c0_i32_0 = arith.constant 0 : i32
    return %arg0, %c0_i32 : i32, i32
  }
}

module attributes {stable_mosaic.version = 14 : i64} {
  func.func @_mid_body(%arg0: i32, %arg1: memref<2x1000x128xf32, #tpu.memory_space<vmem>>, %arg2: memref<1000x128xf32, #tpu.memory_space<vmem>>, %arg3: memref<1000x1xf32, #tpu.memory_space<vmem>>, %arg4: memref<1x128xf32, #tpu.memory_space<vmem>>, %arg5: memref<1000x128xf32, #tpu.memory_space<vmem>>) attributes {dimension_semantics = [#tpu.dimension_semantics<arbitrary>], iteration_bounds = array<i64: 10>, scalar_prefetch = 0 : i64, scratch_operands = 0 : i64, tpu.core_type = #tpu.core_type<tc>, window_params = [{transform_indices = @transform_0, window_bounds = array<i64: 2, 1000, 128>}, {transform_indices = @transform_1, window_bounds = array<i64: 1000, 128>}, {transform_indices = @transform_2, window_bounds = array<i64: 1000, 1>}, {pipeline_mode = #tpu.pipeline_mode<synchronous>, transform_indices = @transform_3, window_bounds = array<i64: 1, 128>}, {transform_indices = @transform_4, window_bounds = array<i64: 1000, 128>}]} {
    %get3A = arith.constant 0 : index
    %get3A_0 = arith.constant 0 : index
    %get3A_1 = vector.load %arg3[%get3A, %get3A_0] : memref<1000x1xf32, #tpu.memory_space<vmem>>, vector<1000x1xf32>
    %get3A_2 = arith.constant 0 : index
    %get3A_3 = arith.constant 0 : index
    %get3A_4 = arith.constant 0 : index
    %get3A_5 = vector.load %arg1[%get3A_2, %get3A_3, %get3A_4] : memref<2x1000x128xf32, #tpu.memory_space<vmem>>, vector<1x1000x128xf32>
    %get3A_6 = vector.shape_cast %get3A_5 : vector<1x1000x128xf32> to vector<1000x128xf32>
    %get3A_7 = arith.constant 1 : index
    %get3A_8 = arith.constant 0 : index
    %get3A_9 = arith.constant 0 : index
    %get3A_10 = vector.load %arg1[%get3A_7, %get3A_8, %get3A_9] : memref<2x1000x128xf32, #tpu.memory_space<vmem>>, vector<1x1000x128xf32>
    %get3A_11 = vector.shape_cast %get3A_10 : vector<1x1000x128xf32> to vector<1000x128xf32>
    %add3A = arith.addf %get3A_6, %get3A_11 : vector<1000x128xf32>
    %get3A_12 = arith.constant 0 : index
    %get3A_13 = arith.constant 0 : index
    %get3A_14 = vector.load %arg2[%get3A_12, %get3A_13] : memref<1000x128xf32, #tpu.memory_space<vmem>>, vector<1000x128xf32>
    %add3A_15 = arith.addf %add3A, %get3A_14 : vector<1000x128xf32>
    %mul3A = vector.broadcast %get3A_1 : vector<1000x1xf32> to vector<1000x128xf32>
    %mul3A_16 = arith.mulf %mul3A, %add3A_15 : vector<1000x128xf32>
    %get3A_17 = arith.constant 0 : index
    %get3A_18 = arith.constant 0 : index
    %get3A_19 = vector.load %arg4[%get3A_17, %get3A_18] : memref<1x128xf32, #tpu.memory_space<vmem>>, vector<1x128xf32>
    %add3A_20 = vector.broadcast %get3A_19 : vector<1x128xf32> to vector<1000x128xf32>
    %add3A_21 = arith.addf %mul3A_16, %add3A_20 : vector<1000x128xf32>
    %max3A = arith.constant 0.000000e+00 : f32
    %max3A_22 = vector.broadcast %max3A : f32 to vector<1000x128xf32>
    %max3A_23 = arith.maximumf %add3A_21, %max3A_22 : vector<1000x128xf32>
    %mul3A_24 = vector.broadcast %get3A_1 : vector<1000x1xf32> to vector<1000x128xf32>
    %mul3A_25 = arith.mulf %max3A_23, %mul3A_24 : vector<1000x128xf32>
    %swap3A = arith.constant 0 : index
    %swap3A_26 = arith.constant 0 : index
    %swap3A_27 = vector.load %arg5[%swap3A, %swap3A_26] : memref<1000x128xf32, #tpu.memory_space<vmem>>, vector<1000x128xf32>
    tpu.vector_store %arg5[%swap3A, %swap3A_26], %mul3A_25 {strides = array<i32>} : memref<1000x128xf32, #tpu.memory_space<vmem>>, vector<1000x128xf32>,
    return
  }
  func.func @transform_0(%arg0: i32) -> (i32, i32, i32) {
    %c0_i32 = arith.constant 0 : i32
    %c0_i32_0 = arith.constant 0 : i32
    %c0_i32_1 = arith.constant 0 : i32
    return %c0_i32, %arg0, %c0_i32_0 : i32, i32, i32
  }
  func.func @transform_1(%arg0: i32) -> (i32, i32) {
    %c0_i32 = arith.constant 0 : i32
    %c0_i32_0 = arith.constant 0 : i32
    return %arg0, %c0_i32 : i32, i32
  }
  func.func @transform_2(%arg0: i32) -> (i32, i32) {
    %c0_i32 = arith.constant 0 : i32
    %c0_i32_0 = arith.constant 0 : i32
    return %arg0, %c0_i32 : i32, i32
  }
  func.func @transform_3(%arg0: i32) -> (i32, i32) {
    %c0_i32 = arith.constant 0 : i32
    %c0_i32_0 = arith.constant 0 : i32
    %c0_i32_1 = arith.constant 0 : i32
    return %c0_i32, %c0_i32_0 : i32, i32
  }
  func.func @transform_4(%arg0: i32) -> (i32, i32) {
    %c0_i32 = arith.constant 0 : i32
    %c0_i32_0 = arith.constant 0 : i32
    return %arg0, %c0_i32 : i32, i32
  }
}

module attributes {stable_mosaic.version = 14 : i64} {
  func.func @_post_body(%arg0: i32, %arg1: memref<2x1000x128xf32, #tpu.memory_space<vmem>>, %arg2: memref<1000x128xf32, #tpu.memory_space<vmem>>, %arg3: memref<1000x1xf32, #tpu.memory_space<vmem>>, %arg4: memref<128x64xf32, #tpu.memory_space<vmem>>, %arg5: memref<1x64xf32, #tpu.memory_space<vmem>>, %arg6: memref<1000x64xf32, #tpu.memory_space<vmem>>) attributes {dimension_semantics = [#tpu.dimension_semantics<arbitrary>], iteration_bounds = array<i64: 10>, scalar_prefetch = 0 : i64, scratch_operands = 0 : i64, tpu.core_type = #tpu.core_type<tc>, window_params = [{transform_indices = @transform_0, window_bounds = array<i64: 2, 1000, 128>}, {transform_indices = @transform_1, window_bounds = array<i64: 1000, 128>}, {transform_indices = @transform_2, window_bounds = array<i64: 1000, 1>}, {pipeline_mode = #tpu.pipeline_mode<synchronous>, transform_indices = @transform_3, window_bounds = array<i64: 128, 64>}, {pipeline_mode = #tpu.pipeline_mode<synchronous>, transform_indices = @transform_4, window_bounds = array<i64: 1, 64>}, {transform_indices = @transform_5, window_bounds = array<i64: 1000, 64>}]} {
    %get3A = arith.constant 0 : index
    %get3A_0 = arith.constant 0 : index
    %get3A_1 = vector.load %arg3[%get3A, %get3A_0] : memref<1000x1xf32, #tpu.memory_space<vmem>>, vector<1000x1xf32>
    %get3A_2 = arith.constant 0 : index
    %get3A_3 = arith.constant 0 : index
    %get3A_4 = arith.constant 0 : index
    %get3A_5 = vector.load %arg1[%get3A_2, %get3A_3, %get3A_4] : memref<2x1000x128xf32, #tpu.memory_space<vmem>>, vector<1x1000x128xf32>
    %get3A_6 = vector.shape_cast %get3A_5 : vector<1x1000x128xf32> to vector<1000x128xf32>
    %get3A_7 = arith.constant 1 : index
    %get3A_8 = arith.constant 0 : index
    %get3A_9 = arith.constant 0 : index
    %get3A_10 = vector.load %arg1[%get3A_7, %get3A_8, %get3A_9] : memref<2x1000x128xf32, #tpu.memory_space<vmem>>, vector<1x1000x128xf32>
    %get3A_11 = vector.shape_cast %get3A_10 : vector<1x1000x128xf32> to vector<1000x128xf32>
    %add3A = arith.addf %get3A_6, %get3A_11 : vector<1000x128xf32>
    %get3A_12 = arith.constant 0 : index
    %get3A_13 = arith.constant 0 : index
    %get3A_14 = vector.load %arg2[%get3A_12, %get3A_13] : memref<1000x128xf32, #tpu.memory_space<vmem>>, vector<1000x128xf32>
    %add3A_15 = arith.addf %add3A, %get3A_14 : vector<1000x128xf32>
    %mul3A = vector.broadcast %get3A_1 : vector<1000x1xf32> to vector<1000x128xf32>
    %mul3A_16 = arith.mulf %mul3A, %add3A_15 : vector<1000x128xf32>
    %get3A_17 = arith.constant 0 : index
    %get3A_18 = arith.constant 0 : index
    %get3A_19 = vector.load %arg4[%get3A_17, %get3A_18] : memref<128x64xf32, #tpu.memory_space<vmem>>, vector<128x64xf32>
    %dot_general3A = arith.constant dense<0.000000e+00> : vector<1000x64xf32>
    %dot_general3A_20 = tpu.matmul %mul3A_16, %get3A_19, %dot_general3A {dimension_numbers = #tpu.dot_dimension_numbers<[1], [0], [0], [1], [0, 0, 1, 1], [], []>, transpose_lhs_hint = false} : vector<1000x128xf32>, vector<128x64xf32>, vector<1000x64xf32> -> vector<1000x64xf32>
    %get3A_21 = arith.constant 0 : index
    %get3A_22 = arith.constant 0 : index
    %get3A_23 = vector.load %arg5[%get3A_21, %get3A_22] : memref<1x64xf32, #tpu.memory_space<vmem>>, vector<1x64xf32>
    %add3A_24 = vector.broadcast %get3A_23 : vector<1x64xf32> to vector<1000x64xf32>
    %add3A_25 = arith.addf %dot_general3A_20, %add3A_24 : vector<1000x64xf32>
    %reduce_max3A = arith.constant dense<0xFF800000> : vector<1000xf32>
    %reduce_max3A_26 = vector.multi_reduction <maximumf>, %add3A_25, %reduce_max3A [1] : vector<1000x64xf32> to vector<1000xf32>
    %broadcast_in_dim3A = vector.shape_cast %reduce_max3A_26 : vector<1000xf32> to vector<1000x1xf32>
    %sub3A = vector.broadcast %broadcast_in_dim3A : vector<1000x1xf32> to vector<1000x64xf32>
    %sub3A_27 = arith.subf %add3A_25, %sub3A : vector<1000x64xf32>
    %exp3A = math.exp %sub3A_27 : vector<1000x64xf32>
    %reduce_sum3A = arith.constant dense<0.000000e+00> : vector<1000xf32>
    %reduce_sum3A_28 = vector.multi_reduction <add>, %exp3A, %reduce_sum3A [1] : vector<1000x64xf32> to vector<1000xf32>
    %broadcast_in_dim3A_29 = vector.shape_cast %reduce_sum3A_28 : vector<1000xf32> to vector<1000x1xf32>
    %log3A = math.log %broadcast_in_dim3A_29 : vector<1000x1xf32>
    %add3A_30 = arith.addf %broadcast_in_dim3A, %log3A : vector<1000x1xf32>
    %sub3A_31 = vector.broadcast %add3A_30 : vector<1000x1xf32> to vector<1000x64xf32>
    %sub3A_32 = arith.subf %add3A_25, %sub3A_31 : vector<1000x64xf32>
    %swap3A = arith.constant 0 : index
    %swap3A_33 = arith.constant 0 : index
    %swap3A_34 = vector.load %arg6[%swap3A, %swap3A_33] : memref<1000x64xf32, #tpu.memory_space<vmem>>, vector<1000x64xf32>
    tpu.vector_store %arg6[%swap3A, %swap3A_33], %sub3A_32 {strides = array<i32>} : memref<1000x64xf32, #tpu.memory_space<vmem>>, vector<1000x64xf32>,
    return
  }
  func.func @transform_0(%arg0: i32) -> (i32, i32, i32) {
    %c0_i32 = arith.constant 0 : i32
    %c0_i32_0 = arith.constant 0 : i32
    %c0_i32_1 = arith.constant 0 : i32
    return %c0_i32, %arg0, %c0_i32_0 : i32, i32, i32
  }
  func.func @transform_1(%arg0: i32) -> (i32, i32) {
    %c0_i32 = arith.constant 0 : i32
    %c0_i32_0 = arith.constant 0 : i32
    return %arg0, %c0_i32 : i32, i32
  }
  func.func @transform_2(%arg0: i32) -> (i32, i32) {
    %c0_i32 = arith.constant 0 : i32
    %c0_i32_0 = arith.constant 0 : i32
    return %arg0, %c0_i32 : i32, i32
  }
  func.func @transform_3(%arg0: i32) -> (i32, i32) {
    %c0_i32 = arith.constant 0 : i32
    %c0_i32_0 = arith.constant 0 : i32
    %c0_i32_1 = arith.constant 0 : i32
    return %c0_i32, %c0_i32_0 : i32, i32
  }
  func.func @transform_4(%arg0: i32) -> (i32, i32) {
    %c0_i32 = arith.constant 0 : i32
    %c0_i32_0 = arith.constant 0 : i32
    %c0_i32_1 = arith.constant 0 : i32
    return %c0_i32, %c0_i32_0 : i32, i32
  }
  func.func @transform_5(%arg0: i32) -> (i32, i32) {
    %c0_i32 = arith.constant 0 : i32
    %c0_i32_0 = arith.constant 0 : i32
    return %arg0, %c0_i32 : i32, i32
  }
}

</mosaic_0001>

<sc_bundles>
// kernel: kernel.11.cloned.1.call-start
scs
__scs_entry_jumppad:
0x0: {  	(pc) =	sbr.rel $0x88, $3  }
0x1: {  	(tag) =	ssettag $0x0;
	lr =	simm.s32 $0x1  }
0x2: {  	[smem:$0x3F9B] =	sst lr;
	_ =	strace $0xD0000000  }
0x3: {  	_ = 	snop  }
0x4: {  	_ = 	snop  }
0x5: {  	_ = 	snop  }
0x6: {  	_ = 	snop  }
0x7: {  	_ = 	snop  }
__scs_overlays_trampoline_lowered:
0x8: {  	[smem:$0x3FAA] =	sst s0  }
0x9: {  	[smem:$0x3FAB] =	sst s1  }
0xa: {  	[smem:$0x3FAC] =	sst s2  }
0xb: {  	[smem:$0x3FAD] =	sst s3  }
0xc: {  	[smem:$0x3FAE] =	sst s4  }
0xd: {  	[smem:$0x3FAF] =	sst s5  }
0xe: {  	[smem:$0x3FB0] =	sst s6  }
0xf: {  	[smem:$0x3FB1] =	sst s7  }
0x10: {  	[smem:$0x3FB2] =	sst s8  }
0x11: {  	[smem:$0x3FB3] =	sst s9;
	s0 =	simm.s32 @!p0 $0x0  }
0x12: {  	s1 =	sld [smem:$0x3F99];
	s0 =	simm.s32 @p0 $0x1  }
0x13: {  	[smem:$0x3FB4] =	sst s0;
	s0 =	simm.s32 @!p1 $0x0  }
0x14: {  	s2 =	sld [smem:$0x3F98];
	s0 =	simm.s32 @p1 $0x1  }
0x15: {  	[smem:$0x3FB5] =	sst s0;
	s0 =	simm.s32 @!p2 $0x0  }
0x16: {  	s3 =	sld [smem:$0x3FDB];
	s0 =	simm.s32 @p2 $0x1  }
0x17: {  	s4 =	simm.s32 $0x1BF5;
	[smem:$0x3FB7] =	sst s0  }
0x18: {  	s0 =	sld [smem:$0x3F9A];
	_ =	swait.ge [sflag:s4], $0x0  }
0x19: {  	s7 =	sld [smem:$0x3F9B]  }
0x1a: {  	s8 =	sadd.s32 $0xFFFFE003, lr  }
0x1b: {  	s9 =	sadd.s32 $0xFFFFFEF7, lr;
	s5 =	simm.s32 $0xFFFFFFFF;
	p2 =	slt.u32 s8, $0xFFFFF086  }
0x1c: {  	p1 =	slt.u32 s9, $0xF7A;
	s5 =	simm.s32 @!p2 $0x0  }
0x1d: {  	s5 =	simm.s32 @p1 $0x1;
	p0 =	seq.s32 s7, s2  }
0x1e: {  	s7 =	smul.u32 @!p0 $0xF7A, s2;
	p2 =	seq.s32 @!p0 s5, $0x0  }
0x1f: {  	s9 =	smul.u32 $0xF7A, s1;
	s8 =	simm.s32 @!p0 $0x1BF5;
	p2 =	por !p2, p0  }
0x20: {  	[sflag:s8] =	ssyncset.s32 @!p0 $0xFFFFF086;
	s6 =	sadd.s32 @!p0 s3, s7;
	s7 =	simm.s32 @!p0 $0x108  }
0x21: {  	s3 =	sadd.s32 s3, s9;
	s6 =	sadd.s32 @!p0 $0x88, s6;
	s7 =	simm.s32 @p2 $0x1082  }
0x22: {  	[simem:s7], [sflag:s8] =	dma.local @!p0 [hbm:s6], $0xF7A  }
0x23: {  	s9 =	sor.u32 $0xD0000000, s2;
	s6 =	simm.s32 $0x108;
	_ =	swait.ge @!p0 [sflag:s8], $0x0  }
0x24: {  	s3 =	sadd.s32 $0x88, s3;
	s6 =	simm.s32 @!p1 $0x1082;
	[sflag:s4] =	ssyncset.s32 $0xFFFFF086  }
0x25: {  	[simem:s6], [sflag:s4] =	dma.local [hbm:s3], $0xF7A  }
0x26: {  	[smem:$0x3F9B] =	sst s1;
	(tag) =	ssettag s2;
	_ =	strace s9  }
0x27: {  	s1 =	sld [smem:$0x3FAB]  }
0x28: {  	s2 =	sld [smem:$0x3FAC]  }
0x29: {  	s4 =	sld [smem:$0x3FAE]  }
0x2a: {  	p0 =	seq.s32 s5, $0x0;
	s5 =	sld [smem:$0x3FAF]  }
0x2b: {  	s6 =	sld [smem:$0x3FB0]  }
0x2c: {  	s7 =	sld [smem:$0x3FB1]  }
0x2d: {  	s3 =	simm.s32 $0x108;
	s8 =	sld [smem:$0x3FB2]  }
0x2e: {  	s3 =	simm.s32 @!p0 $0x1082;
	s9 =	sld [smem:$0x3FB3]  }
0x2f: {  	lr =	sadd.s32 s0, s3;
	s0 =	sld [smem:$0x3FAA]  }
0x30: {  	s3 =	sld [smem:$0x3FAD]  }
0x31: {  	[smem:$0x3FB6] =	sst s10  }
0x32: {  	s10 =	sld [smem:$0x3FB4];
	_ =	sdelay $0x3  }
0x33: {  	p0 =	seq.s32 s10, $0x1;
	s10 =	sld [smem:$0x3FB6];
	_ =	sdelay $0x3  }
0x34: {  	[smem:$0x3FB6] =	sst s10  }
0x35: {  	s10 =	sld [smem:$0x3FB5];
	_ =	sdelay $0x3  }
0x36: {  	p1 =	seq.s32 s10, $0x1;
	s10 =	sld [smem:$0x3FB6];
	_ =	sdelay $0x3  }
0x37: {  	[smem:$0x3FB6] =	sst s10  }
0x38: {  	s10 =	sld [smem:$0x3FB7]  }
0x39: {  	_ = 	snop;
	(pc) =	sbr.ind lr, $3  }
0x3a: {  	_ = 	snop  }
0x3b: {  	_ = 	snop  }
0x3c: {  	p2 =	seq.s32 s10, $0x1;
	s10 =	sld [smem:$0x3FB6]  }
0x3d: {  	_ =	shalt  }
0x3e: {  	_ =	shalt  }
0x3f: {  	_ =	shalt  }
0x40: {  	_ =	shalt  }
0x41: {  	_ =	shalt  }
0x42: {  	_ =	shalt  }
0x43: {  	_ =	shalt  }
0x44: {  	_ =	shalt  }
0x45: {  	_ =	shalt  }
0x46: {  	_ =	shalt  }
0x47: {  	_ =	shalt  }
0x48: {  	_ =	shalt  }
0x49: {  	_ =	shalt  }
0x4a: {  	_ =	shalt  }
0x4b: {  	_ =	shalt  }
0x4c: {  	_ =	shalt  }
0x4d: {  	_ =	shalt  }
0x4e: {  	_ =	shalt  }
0x4f: {  	_ =	shalt  }
0x50: {  	_ =	shalt  }
0x51: {  	_ =	shalt  }
0x52: {  	_ =	shalt  }
0x53: {  	_ =	shalt  }
0x54: {  	_ =	shalt  }
0x55: {  	_ =	shalt  }
0x56: {  	_ =	shalt  }
0x57: {  	_ =	shalt  }
0x58: {  	_ =	shalt  }
0x59: {  	_ =	shalt  }
0x5a: {  	_ =	shalt  }
0x5b: {  	_ =	shalt  }
0x5c: {  	_ =	shalt  }
0x5d: {  	_ =	shalt  }
0x5e: {  	_ =	shalt  }
0x5f: {  	_ =	shalt  }
0x60: {  	_ =	shalt  }
0x61: {  	_ =	shalt  }
0x62: {  	_ =	shalt  }
0x63: {  	_ =	shalt  }
0x64: {  	_ =	shalt  }
0x65: {  	_ =	shalt  }
0x66: {  	_ =	shalt  }
0x67: {  	_ =	shalt  }
0x68: {  	_ =	shalt  }
0x69: {  	_ =	shalt  }
0x6a: {  	_ =	shalt  }
0x6b: {  	_ =	shalt  }
0x6c: {  	_ =	shalt  }
0x6d: {  	_ =	shalt  }
0x6e: {  	_ =	shalt  }
0x6f: {  	_ =	shalt  }
0x70: {  	_ =	shalt  }
0x71: {  	_ =	shalt  }
0x72: {  	_ =	shalt  }
0x73: {  	_ =	shalt  }
0x74: {  	_ =	shalt  }
0x75: {  	_ =	shalt  }
0x76: {  	_ =	shalt  }
0x77: {  	_ =	shalt  }
0x78: {  	_ =	shalt  }
0x79: {  	_ =	shalt  }
0x7a: {  	_ =	shalt  }
0x7b: {  	_ =	shalt  }
0x7c: {  	_ =	shalt  }
0x7d: {  	_ =	shalt  }
0x7e: {  	_ =	shalt  }
0x7f: {  	_ =	shalt  }
0x80: {  	_ =	shalt  }
0x81: {  	_ =	shalt  }
0x82: {  	_ =	shalt  }
0x83: {  	_ =	shalt  }
0x84: {  	_ =	shalt  }
0x85: {  	_ =	shalt  }
0x86: {  	_ =	shalt  }
0x87: {  	_ =	shalt  }
.Lfunc_end0:
.L_simem_size_0:
called_computation.1_lowered:
.L_overlay_start_0:
0x88: {  	s2 =	sld [smem:$0x3FD9]  }
0x89: {  	s3 =	sld [smem:$0x3FFE];
	_ =	sdelay $0x1  }
0x8a: {  	s1 =	srdreg.scid  }
0x8b: {  	s0 =	sand.u32 $0x1, s1  }
0x8c: {  	s17 =	sshll.u32 s0, $0xA;
	s2 =	sadd.s32 s3, s2  }
0x8d: {  	s2 =	sadd.s32 s2, s17  }
0x8e: {  	[smem:$0x3FC2] =	sst s2  }
0x8f: {  	_ = 	snop  }
0x90: {  	s2 =	sld [smem:$0x3FD0];
	(tm) =	ssettm $0x1  }
0x91: {  	s18 =	sld [smem:$0x3FFB];
	_ =	sdelay $0x3  }
0x92: {  	_ =	strace s18  }
0x93: {  	s3 =	sld [smem:$0x3FFC];
	_ =	sdelay $0x3  }
0x94: {  	_ =	strace s3  }
0x95: {  	s3 =	sld [smem:$0x3FFD];
	_ =	sdelay $0x3  }
0x96: {  	_ =	strace s3  }
0x97: {  	_ =	strace $0x8FFFFFFF  }
0x98: {  	s19 =	sld [smem:$0x3FDB];
	_ =	sdelay $0x1  }
0x99: {  	s4 =	simm.s32 $_scs_section_size  }
0x9a: {  	s5 =	simm.s32 $_size__tile_overlayer_lowered;
	s6 =	simm.s32 $_tile_overlayer_lowered  }
0x9b: {  	s22 =	simm.s32 $0x1BFF;
	s21 =	sshll.u32 s6, $0x1;
	s3 =	sadd.s32 s4, s19  }
0x9c: {  	s7 =	simm.s32 $0x0;
	s20 =	sshll.u32 s5, $0x1;
	s5 =	sadd.s32 s21, s3  }
0x9d: {  	[timem:s7], [sflag:s22] =	dma.local [hbm:s5], s20  }
0x9e: {  	_ =	swait.ge [sflag:s22], s20  }
0x9f: {  	s4 =	ssub.s32 $0x0, s20;
	[sflag:s22] =	ssyncset.done $0x0  }
0xa0: {  	[sflag:s22] =	ssyncadd.s32 s4;
	_ =	sdelay $0x1  }
0xa1: {  	s23 =	simm.s32 $0x1B8B  }
0xa2: {  	_ =	swait.ge [sflag:s23], $0x1  }
0xa3: {  	[sflag:s23] =	ssyncset.done $0x0  }
0xa4: {  	s25 =	simm.s32 $0x1B8E;
	s24 =	sld [smem:$0x3FFE];
	[sflag:s23] =	ssyncadd.s32 $0xFFFFFFFF  }
0xa5: {  	s26 =	simm.s32 $execute0_lowered;
	[smem:$0x3FD2] =	sst s25  }
0xa6: {  	s5 =	sshll.u32 s26, $0x1;
	_ =	strace $0x80000049;
	[dreg:$0x1] =	wrdreg $0xFFFFFFFF  }
0xa7: {  	s28 =	simm.s32 $_size_execute0_lowered;
	s3 =	sadd.s32 s3, s5;
	[dreg:$0x0] =	wrdreg $0x0  }
0xa8: {  	s5 =	sshll.u32 s28, $0x1;
	[dreg:$0x2] =	wrdreg s3  }
0xa9: {  	[dreg:$0x3] =	wrdreg s5  }
0xaa: {  	[dreg:$0x4] =	wrdreg $0xC0  }
0xab: {  	_ =	task [dreg:s7], $0x5FFFF  }
0xac: {  	[dreg:$0x1] =	wrdreg $0xFFFFFFFF  }
0xad: {  	[dreg:$0x0] =	wrdreg $0x60  }
0xae: {  	[dreg:$0x2] =	wrdreg s24  }
0xaf: {  	[dreg:$0x3] =	wrdreg s2  }
0xb0: {  	[dreg:$0x4] =	wrdreg $0x4A000  }
0xb1: {  	[dreg:$0x5] =	wrdreg $0x9  }
0xb2: {  	_ =	task.clear_ibuf [dreg:s7], $0x6FFFF;
	_ =	strace $0x90000049  }
0xb3: {  	s29 =	simm.s32 $0x9;
	_ =	strace $0x8000004B  }
0xb4: {  	_ =	swait.ge [sflag:s29], $0x1  }
0xb5: {  	[sflag:s29] =	ssyncadd.s32 $0xFFFFFFFF  }
0xb6: {  	_ =	strace $0x9000004B  }
0xb7: {  	_ =	sfence  }
0xb8: {  	s30 =	sld [smem:$0x0];
	_ =	sdelay $0x2  }
0xb9: {  	s31 =	sshll.u32 s1, $0xD;
	s1 =	sshrl.u32 s1, $0x2  }
0xba: {  	s3 =	sand.u32 $0x4000, s31;
	s1 =	sadd.s32 s1, s30  }
0xbb: {  	s0 =	sor.u32 s3, s0;
	s1 =	sshll.u32 s1, $0x11  }
0xbc: {  	s0 =	sor.u32 s1, s0  }
0xbd: {  	s0 =	sadd.s32 $0x8F2B, s0  }
0xbe: {  	[sflag:s0] =	ssyncadd.remote.s32 $0x1  }
0xbf: {  	_ =	sfence.sel $0xFFFF  }
0xc0: {  	[dreg:$0x0] =	wrdreg $0xFFFFFFFF;
	(pc) =	sbr.abs _section_cstart, $3  }
0xc1: {  	[dreg:$0x1] =	wrdreg $0xFFFFFFFF  }
0xc2: {  	_ =	task.clear_ibuf [dreg:s7], $0x2FFFF;
	_ =	strace $0x9FFFFFFF  }
0xc3: {  	(tm) =	ssettm $0x7FFFFFFF  }
tec
execute0_lowered:
.L_overlay_start_1:
0x0: {  	(tag) =	ssettag $0x1  }
0x1: {  	s5 =	rddreg [dreg:$0x0]  }
0x2: {  	s14 =	rddreg [dreg:$0x1];
	s0 =	srdreg.scid  }
0x3: {  	s2 =	rddreg [dreg:$0x2];
	s1 =	stileid.u32  }
0x4: {  	s3 =	simm.s32 $0x0;
	s17 =	simm.s32 $0x2;
	s18 =	simm.s32 $0x80  }
0x5: {  	s19 =	simm.s32 $0x1;
	s20 =	simm.s32 $0x100;
	s21 =	simm.s32 $0x180  }
0x6: {  	s22 =	simm.s32 $0x10;
	s23 =	simm.s32 $0x4200;
	s8 =	smul.u32 $0x14000, s1  }
0x7: {  	s6 =	sand.u32 $0x1, s0;
	s0 =	rddreg [dreg:$0x3];
	s10 =	smul.u32 $0x2710, s1  }
0x8: {  	s24 =	simm.s32 $0x0;
	[smem:$0x7FF] =	sst s3;
	s25 =	smul.u32 $0x50000, s1  }
0x9: {  	s15 =	sadd.s32 $0x2A00, s5;
	s4 =	sadd.s32 $0xC800, s5;
	s9 =	smul.u32 $0x27100, s6  }
0xa: {  	s7 =	smul.u32 $0x140000, s6;
	_ =	strace $0x8000004A;
	s28 =	ssub.s32 $0x2, s6  }
0xb: {  	s6 =	sshrl.u32 s28, $0x1;
	s29 =	sshrl.u32 s25, $0x2;
	s9 =	sadd.s32 s10, s9  }
0xc: {  	s7 =	sadd.s32 s8, s7;
	s31 =	ssub.s32 s28, s6;
	s16 =	sshrl.u32 s9, $0x3  }
0xd: {  	s7 =	sshrl.u32 s7, $0x3;
	s9 =	smax.u32 s31, $0x1;
	s30 =	sadd.s32 $0x4E0, s16  }
0xe: {  	s26 =	sadd.s32 s7, s5;
	s5 =	sadd.s32 s29, s2;
	s6 =	sadd.s32 s15, s30  }
0xf: {  	s7 =	sadd.s32 s14, s30;
	s8 =	sadd.s32 $0x33A00, s26;
	s10 =	sadd.s32 $0x4000, s5  }
0x10: {  	s11 =	sadd.s32 $0x8000, s5;
	s12 =	sadd.s32 $0xC000, s5;
	s13 =	sadd.s32 $0x10000, s5  }
0x11: {  	v0 =	vimm.f32 $0.0e+00;
	s14 =	sadd.s32 s16, s14;
	s15 =	sadd.s32 s16, s15;
	s16 =	simm.s32 $0x200  }
.LBB2_1:
0x12: {  	s25 =	simm.s32 $0x0;
	s26 =	simm.s32 $0x200  }
.LBB2_2:
0x13: {  	p0 =	sne.s32 s26, $0xFE00;
	[tilespmem:s25+$0x270] =	vst v0  }
0x14: {  	[tilespmem:s25+$0x200] =	vst v0  }
0x15: {  	[tilespmem:s25+$0x210] =	vst v0  }
.Ltmp0:
0x16: {  	[tilespmem:s25+$0x220] =	vst v0;
	(pc) =	sbr.rel @p0 .LBB2_2-.Ltmp0, $4  }
0x17: {  	[tilespmem:s25+$0x230] =	vst v0  }
0x18: {  	[tilespmem:s25+$0x240] =	vst v0  }
0x19: {  	[tilespmem:s25+$0x250] =	vst v0  }
0x1a: {  	[tilespmem:s25+$0x260] =	vst v0;
	s25 =	sshra.s32 s26, $0x2;
	s26 =	sadd.s32 $0x200, s26  }
0x1b: {  	[tilespmem:s25+$0x270] =	vst v0  }
0x1c: {  	[tilespmem:s25+$0x200] =	vst v0  }
0x1d: {  	[tilespmem:s25+$0x210] =	vst v0  }
0x1e: {  	[tilespmem:s25+$0x220] =	vst v0  }
0x1f: {  	[tilespmem:s25+$0x230] =	vst v0  }
0x20: {  	[tilespmem:s25+$0x240] =	vst v0  }
0x21: {  	[tilespmem:s25+$0x250] =	vst v0  }
0x22: {  	[tilespmem:s25+$0x260] =	vst v0  }
0x23: {  	[spmem:s5] =	stream.linear.scatter [tilespmem:s16], [sflag:$0x2], $0x4000, $0x38;
	[tilespmem:$0x18A00] =	vst v63  }
0x24: {  	_ =	swait.ge [sflag:s17], $0x4000  }
0x25: {  	[sflag:s17] =	ssyncset.done $0x0  }
0x26: {  	[sflag:s17] =	ssyncadd.s32 $0xFFFFC000  }
0x27: {  	[spmem:s10] =	stream.linear.scatter [tilespmem:s16], [sflag:$0x2], $0x4000, $0x38;
	[tilespmem:$0x18A00] =	vst v63  }
0x28: {  	_ =	swait.ge [sflag:s17], $0x4000  }
0x29: {  	[sflag:s17] =	ssyncset.done $0x0  }
0x2a: {  	[sflag:s17] =	ssyncadd.s32 $0xFFFFC000  }
0x2b: {  	[spmem:s11] =	stream.linear.scatter [tilespmem:s16], [sflag:$0x2], $0x4000, $0x38;
	[tilespmem:$0x18A00] =	vst v63  }
0x2c: {  	_ =	swait.ge [sflag:s17], $0x4000  }
0x2d: {  	[sflag:s17] =	ssyncset.done $0x0  }
0x2e: {  	[sflag:s17] =	ssyncadd.s32 $0xFFFFC000  }
0x2f: {  	[spmem:s12] =	stream.linear.scatter [tilespmem:s16], [sflag:$0x2], $0x4000, $0x38;
	[tilespmem:$0x18A00] =	vst v63  }
0x30: {  	_ =	swait.ge [sflag:s17], $0x4000  }
0x31: {  	[sflag:s17] =	ssyncset.done $0x0  }
0x32: {  	[sflag:s17] =	ssyncadd.s32 $0xFFFFC000  }
0x33: {  	[spmem:s13] =	stream.linear.scatter [tilespmem:s16], [sflag:$0x2], $0x4000, $0x38;
	[tilespmem:$0x18A00] =	vst v63  }
0x34: {  	_ =	swait.ge [sflag:s17], $0x4000  }
0x35: {  	[sflag:s17] =	ssyncset.done $0x0  }
0x36: {  	[sflag:s17] =	ssyncadd.s32 $0xFFFFC000  }
0x37: {  	s30 =	sadd.s32 $0x0, s15;
	[bflag:$0x0] =	sbarrier.arrive $0xFFFF  }
0x38: {  	[tilespmem:s3], [sflag:$0x2] =	stream.linear.gather [hbm4b:s30+s3], $0x80, $0x38;
	[tilespmem:$0x18A00] =	vst v63  }
0x39: {  	_ =	swait.ge [sflag:s17], $0x80  }
0x3a: {  	[sflag:s17] =	ssyncset.done $0x0  }
0x3b: {  	s31 =	sadd.s32 $0x0, s14;
	[sflag:s17] =	ssyncadd.s32 $0xFFFFFF80  }
0x3c: {  	[tilespmem:s18], [sflag:$0x2] =	stream.linear.gather [hbm4b:s31+s3], $0x80, $0x38;
	[tilespmem:$0x18A00] =	vst v63  }
0x3d: {  	_ =	swait.ge [sflag:s17], $0x80  }
0x3e: {  	[sflag:s17] =	ssyncset.done $0x0  }
0x3f: {  	[sflag:s17] =	ssyncadd.s32 $0xFFFFFF80  }
0x40: {  	[tilespmem:s16], [sflag:$0x1] =	stream.indirect.gather [hbm4b:s4+s18], $0x80, s3, s18, $0xb8;
	[tilespmem:$0x18A00] =	vst v63  }
0x41: {  	_ =	swait.ge [sflag:s19], $0x4000  }
0x42: {  	[sflag:s19] =	ssyncset.done $0x0  }
0x43: {  	[sflag:s19] =	ssyncadd.s32 $0xFFFFC000  }
0x44: {  	[spmem:s2] =	stream.indirect.scatter.add.f32 [tilespmem:s16], [sflag:$0x2], $0x80, s18, s18, $0xb8;
	[tilespmem:$0x18A00] =	vst v63  }
0x45: {  	_ =	swait.ge [sflag:s17], $0x4000  }
0x46: {  	s25 =	simm.s32 $0x10;
	s26 =	simm.s32 $0x20;
	[sflag:s17] =	ssyncset.done $0x0  }
.LBB2_4:
0x47: {  	s28 =	sadd.s32 s25, s15  }
0x48: {  	[sflag:s17] =	ssyncadd.s32 $0xFFFFC000;
	s29 =	smov.u32 s26;
	s30 =	sadd.s32 $0x10, s26  }
0x49: {  	[tilespmem:s3], [sflag:$0x2] =	stream.linear.gather [hbm4b:s28+s3], $0x80, $0x38;
	[tilespmem:$0x18A00] =	vst v63  }
0x4a: {  	p0 =	sne.s32 s26, $0x4D0;
	_ =	swait.ge [sflag:s17], $0x80  }
0x4b: {  	[sflag:s17] =	ssyncset.done $0x0  }
0x4c: {  	s26 =	sadd.s32 s25, s14;
	s25 =	smov.u32 s29;
	[sflag:s17] =	ssyncadd.s32 $0xFFFFFF80  }
0x4d: {  	[tilespmem:s18], [sflag:$0x2] =	stream.linear.gather [hbm4b:s26+s3], $0x80, $0x38;
	[tilespmem:$0x18A00] =	vst v63  }
0x4e: {  	_ =	swait.ge [sflag:s17], $0x80  }
0x4f: {  	[sflag:s17] =	ssyncset.done $0x0  }
0x50: {  	[sflag:s17] =	ssyncadd.s32 $0xFFFFFF80  }
0x51: {  	[tilespmem:s16], [sflag:$0x1] =	stream.indirect.gather [hbm4b:s4+s18], $0x80, s3, s18, $0xb8;
	[tilespmem:$0x18A00] =	vst v63  }
0x52: {  	_ =	swait.ge [sflag:s19], $0x4000  }
.Ltmp1:
0x53: {  	[sflag:s19] =	ssyncset.done $0x0;
	(pc) =	sbr.rel @p0 .LBB2_4-.Ltmp1, $4  }
0x54: {  	[sflag:s19] =	ssyncadd.s32 $0xFFFFC000  }
0x55: {  	[spmem:s2] =	stream.indirect.scatter.add.f32 [tilespmem:s16], [sflag:$0x2], $0x80, s18, s18, $0xb8;
	[tilespmem:$0x18A00] =	vst v63  }
0x56: {  	_ =	swait.ge [sflag:s17], $0x4000  }
0x57: {  	s26 =	smov.u32 s30;
	[sflag:s17] =	ssyncset.done $0x0  }
0x58: {  	s26 =	sadd.s32 s25, s15;
	[sflag:s17] =	ssyncadd.s32 $0xFFFFC000  }
0x59: {  	[tilespmem:s3], [sflag:$0x2] =	stream.linear.gather [hbm4b:s26+s3], $0x80, $0x38;
	[tilespmem:$0x18A00] =	vst v63  }
0x5a: {  	_ =	swait.ge [sflag:s17], $0x80  }
0x5b: {  	[sflag:s17] =	ssyncset.done $0x0  }
0x5c: {  	s29 =	sadd.s32 s25, s14;
	[sflag:s17] =	ssyncadd.s32 $0xFFFFFF80  }
0x5d: {  	[tilespmem:s18], [sflag:$0x2] =	stream.linear.gather [hbm4b:s29+s3], $0x80, $0x38;
	[tilespmem:$0x18A00] =	vst v63  }
0x5e: {  	_ =	swait.ge [sflag:s17], $0x80  }
0x5f: {  	[sflag:s17] =	ssyncset.done $0x0  }
0x60: {  	[sflag:s17] =	ssyncadd.s32 $0xFFFFFF80  }
0x61: {  	[tilespmem:s16], [sflag:$0x1] =	stream.indirect.gather [hbm4b:s4+s18], $0x80, s3, s18, $0xb8;
	[tilespmem:$0x18A00] =	vst v63  }
0x62: {  	_ =	swait.ge [sflag:s19], $0x4000  }
0x63: {  	[sflag:s19] =	ssyncset.done $0x0  }
0x64: {  	[sflag:s19] =	ssyncadd.s32 $0xFFFFC000  }
0x65: {  	[spmem:s2] =	stream.indirect.scatter.add.f32 [tilespmem:s16], [sflag:$0x2], $0x80, s18, s18, $0xb8;
	[tilespmem:$0x18A00] =	vst v63  }
0x66: {  	_ =	swait.ge [sflag:s17], $0x4000  }
0x67: {  	[sflag:s17] =	ssyncset.done $0x0  }
0x68: {  	[sflag:s17] =	ssyncadd.s32 $0xFFFFC000  }
0x69: {  	[tilespmem:s20], [sflag:$0x2] =	stream.linear.gather [hbm4b:s6+s3], $0x10, $0x38;
	[tilespmem:$0x18A00] =	vst v63  }
0x6a: {  	_ =	swait.ge [sflag:s17], $0x10  }
0x6b: {  	[sflag:s17] =	ssyncset.done $0x0  }
0x6c: {  	[sflag:s17] =	ssyncadd.s32 $0xFFFFFFF0  }
0x6d: {  	[tilespmem:s21], [sflag:$0x2] =	stream.linear.gather [hbm4b:s7+s3], $0x10, $0x38;
	[tilespmem:$0x18A00] =	vst v63  }
0x6e: {  	_ =	swait.ge [sflag:s17], $0x10  }
0x6f: {  	[sflag:s17] =	ssyncset.done $0x0  }
0x70: {  	[sflag:s17] =	ssyncadd.s32 $0xFFFFFFF0  }
0x71: {  	[tilespmem:s23], [sflag:$0x1] =	stream.indirect.gather [hbm4b:s4+s22], $0x80, s20, s22, $0xb8;
	[tilespmem:$0x18A00] =	vst v63  }
0x72: {  	_ =	swait.ge [sflag:s19], $0x800  }
0x73: {  	[sflag:s19] =	ssyncset.done $0x0  }
0x74: {  	[sflag:s19] =	ssyncadd.s32 $0xFFFFF800  }
0x75: {  	[spmem:s2] =	stream.indirect.scatter.add.f32 [tilespmem:s23], [sflag:$0x2], $0x80, s21, s22, $0xb8;
	[tilespmem:$0x18A00] =	vst v63  }
0x76: {  	_ =	swait.ge [sflag:s17], $0x800  }
0x77: {  	s30 =	sshll.u32 s1, $0x6;
	s24 =	sadd.s32 $0x1, s24;
	[sflag:s17] =	ssyncset.done $0x0  }
0x78: {  	s31 =	sshrl.u32 s5, $0x3;
	p0 =	sne.s32 s24, s9;
	[sflag:s17] =	ssyncadd.s32 $0xFFFFF800  }
.Ltmp2:
0x79: {  	s25 =	sor.u32 $0x1C02, s30;
	[bflag:$0x0] =	sbarrier.arrive $0xFFFF;
	(pc) =	sbr.rel @p0 .LBB2_1-.Ltmp2, $4  }
0x7a: {  	[hbm:s8], [sflag:s25] =	dma.local [spmem:s31], $0x2800  }
0x7b: {  	_ =	swait.ge [sflag:s17], $0x2800  }
0x7c: {  	[sflag:s17] =	ssyncset.done $0x0  }
0x7d: {  	[sflag:s17] =	ssyncadd.s32 $0xFFFFD800  }
0x7e: {  	_ =	sfence.sel $0x180000  }
0x7f: {  	[bflag:$0x0] =	sbarrier.arrive $0xFFFF  }
0x80: {  	p0 =	sne.s32 s1, $0x0;
	_ =	strace $0x9000004A  }
0x81: {  	s0 =	sadd.s32 @!p0 $0x100000, s0;
	[bflag:$0x2] =	sbarrier.arrive $0xFFFF  }
0x82: {  	[sflag:s0] =	ssyncadd.tile.s32 @!p0 $0x1;
	_ =	shalt  }
.Lfunc_end2:
_tile_overlayer_lowered:
.L_overlay_start_2:
0x83: {  	(tag) =	ssettag $0x2  }
0x84: {  	s0 =	rddreg [dreg:$0x0];
	s2 =	stileid.u32  }
0x85: {  	s1 =	rddreg [dreg:$0x1];
	p0 =	sne.s32 s2, $0x0  }
0x86: {  	s3 =	rddreg [dreg:$0x2];
	[bflag:$0x3] =	sbarrier.arrive $0xFFFF;
	s2 =	simm.s32 @!p0 $0x1C02  }
0x87: {  	[timem:s3], [sflag:s2] =	dma.local @!p0 [hbm:s0], s1  }
0x88: {  	s0 =	simm.s32 @!p0 $0x2  }
0x89: {  	_ =	swait.ge @!p0 [sflag:s0], s1  }
0x8a: {  	s1 =	ssub.s32 @!p0 $0x0, s1;
	[sflag:s0] =	ssyncset.done @!p0 $0x0  }
0x8b: {  	[sflag:s0] =	ssyncadd.s32 @!p0 s1  }
0x8c: {  	[bflag:$0x3] =	sbarrier.arrive $0xFFFF  }
0x8d: {  	_ =	shalt  }

// kernel: kernel.14.cloned.1.call-start
scs
__scs_entry_jumppad:
0x0: {  	(pc) =	sbr.rel $0x88, $3  }
0x1: {  	(tag) =	ssettag $0x0;
	lr =	simm.s32 $0x1  }
0x2: {  	[smem:$0x3F9B] =	sst lr;
	_ =	strace $0xD0000000  }
0x3: {  	_ = 	snop  }
0x4: {  	_ = 	snop  }
0x5: {  	_ = 	snop  }
0x6: {  	_ = 	snop  }
0x7: {  	_ = 	snop  }
__scs_overlays_trampoline_lowered:
0x8: {  	[smem:$0x3FAA] =	sst s0  }
0x9: {  	[smem:$0x3FAB] =	sst s1  }
0xa: {  	[smem:$0x3FAC] =	sst s2  }
0xb: {  	[smem:$0x3FAD] =	sst s3  }
0xc: {  	[smem:$0x3FAE] =	sst s4  }
0xd: {  	[smem:$0x3FAF] =	sst s5  }
0xe: {  	[smem:$0x3FB0] =	sst s6  }
0xf: {  	[smem:$0x3FB1] =	sst s7  }
0x10: {  	[smem:$0x3FB2] =	sst s8  }
0x11: {  	[smem:$0x3FB3] =	sst s9;
	s0 =	simm.s32 @!p0 $0x0  }
0x12: {  	s1 =	sld [smem:$0x3F99];
	s0 =	simm.s32 @p0 $0x1  }
0x13: {  	[smem:$0x3FB4] =	sst s0;
	s0 =	simm.s32 @!p1 $0x0  }
0x14: {  	s2 =	sld [smem:$0x3F98];
	s0 =	simm.s32 @p1 $0x1  }
0x15: {  	[smem:$0x3FB5] =	sst s0;
	s0 =	simm.s32 @!p2 $0x0  }
0x16: {  	s3 =	sld [smem:$0x3FDB];
	s0 =	simm.s32 @p2 $0x1  }
0x17: {  	s4 =	simm.s32 $0x1BF5;
	[smem:$0x3FB7] =	sst s0  }
0x18: {  	s0 =	sld [smem:$0x3F9A];
	_ =	swait.ge [sflag:s4], $0x0  }
0x19: {  	s7 =	sld [smem:$0x3F9B]  }
0x1a: {  	s8 =	sadd.s32 $0xFFFFE003, lr  }
0x1b: {  	s9 =	sadd.s32 $0xFFFFFEF7, lr;
	s5 =	simm.s32 $0xFFFFFFFF;
	p2 =	slt.u32 s8, $0xFFFFF086  }
0x1c: {  	p1 =	slt.u32 s9, $0xF7A;
	s5 =	simm.s32 @!p2 $0x0  }
0x1d: {  	s5 =	simm.s32 @p1 $0x1;
	p0 =	seq.s32 s7, s2  }
0x1e: {  	s7 =	smul.u32 @!p0 $0xF7A, s2;
	p2 =	seq.s32 @!p0 s5, $0x0  }
0x1f: {  	s9 =	smul.u32 $0xF7A, s1;
	s8 =	simm.s32 @!p0 $0x1BF5;
	p2 =	por !p2, p0  }
0x20: {  	[sflag:s8] =	ssyncset.s32 @!p0 $0xFFFFF086;
	s6 =	sadd.s32 @!p0 s3, s7;
	s7 =	simm.s32 @!p0 $0x108  }
0x21: {  	s3 =	sadd.s32 s3, s9;
	s6 =	sadd.s32 @!p0 $0x88, s6;
	s7 =	simm.s32 @p2 $0x1082  }
0x22: {  	[simem:s7], [sflag:s8] =	dma.local @!p0 [hbm:s6], $0xF7A  }
0x23: {  	s9 =	sor.u32 $0xD0000000, s2;
	s6 =	simm.s32 $0x108;
	_ =	swait.ge @!p0 [sflag:s8], $0x0  }
0x24: {  	s3 =	sadd.s32 $0x88, s3;
	s6 =	simm.s32 @!p1 $0x1082;
	[sflag:s4] =	ssyncset.s32 $0xFFFFF086  }
0x25: {  	[simem:s6], [sflag:s4] =	dma.local [hbm:s3], $0xF7A  }
0x26: {  	[smem:$0x3F9B] =	sst s1;
	(tag) =	ssettag s2;
	_ =	strace s9  }
0x27: {  	s1 =	sld [smem:$0x3FAB]  }
0x28: {  	s2 =	sld [smem:$0x3FAC]  }
0x29: {  	s4 =	sld [smem:$0x3FAE]  }
0x2a: {  	p0 =	seq.s32 s5, $0x0;
	s5 =	sld [smem:$0x3FAF]  }
0x2b: {  	s6 =	sld [smem:$0x3FB0]  }
0x2c: {  	s7 =	sld [smem:$0x3FB1]  }
0x2d: {  	s3 =	simm.s32 $0x108;
	s8 =	sld [smem:$0x3FB2]  }
0x2e: {  	s3 =	simm.s32 @!p0 $0x1082;
	s9 =	sld [smem:$0x3FB3]  }
0x2f: {  	lr =	sadd.s32 s0, s3;
	s0 =	sld [smem:$0x3FAA]  }
0x30: {  	s3 =	sld [smem:$0x3FAD]  }
0x31: {  	[smem:$0x3FB6] =	sst s10  }
0x32: {  	s10 =	sld [smem:$0x3FB4];
	_ =	sdelay $0x3  }
0x33: {  	p0 =	seq.s32 s10, $0x1;
	s10 =	sld [smem:$0x3FB6];
	_ =	sdelay $0x3  }
0x34: {  	[smem:$0x3FB6] =	sst s10  }
0x35: {  	s10 =	sld [smem:$0x3FB5];
	_ =	sdelay $0x3  }
0x36: {  	p1 =	seq.s32 s10, $0x1;
	s10 =	sld [smem:$0x3FB6];
	_ =	sdelay $0x3  }
0x37: {  	[smem:$0x3FB6] =	sst s10  }
0x38: {  	s10 =	sld [smem:$0x3FB7]  }
0x39: {  	_ = 	snop;
	(pc) =	sbr.ind lr, $3  }
0x3a: {  	_ = 	snop  }
0x3b: {  	_ = 	snop  }
0x3c: {  	p2 =	seq.s32 s10, $0x1;
	s10 =	sld [smem:$0x3FB6]  }
0x3d: {  	_ =	shalt  }
0x3e: {  	_ =	shalt  }
0x3f: {  	_ =	shalt  }
0x40: {  	_ =	shalt  }
0x41: {  	_ =	shalt  }
0x42: {  	_ =	shalt  }
0x43: {  	_ =	shalt  }
0x44: {  	_ =	shalt  }
0x45: {  	_ =	shalt  }
0x46: {  	_ =	shalt  }
0x47: {  	_ =	shalt  }
0x48: {  	_ =	shalt  }
0x49: {  	_ =	shalt  }
0x4a: {  	_ =	shalt  }
0x4b: {  	_ =	shalt  }
0x4c: {  	_ =	shalt  }
0x4d: {  	_ =	shalt  }
0x4e: {  	_ =	shalt  }
0x4f: {  	_ =	shalt  }
0x50: {  	_ =	shalt  }
0x51: {  	_ =	shalt  }
0x52: {  	_ =	shalt  }
0x53: {  	_ =	shalt  }
0x54: {  	_ =	shalt  }
0x55: {  	_ =	shalt  }
0x56: {  	_ =	shalt  }
0x57: {  	_ =	shalt  }
0x58: {  	_ =	shalt  }
0x59: {  	_ =	shalt  }
0x5a: {  	_ =	shalt  }
0x5b: {  	_ =	shalt  }
0x5c: {  	_ =	shalt  }
0x5d: {  	_ =	shalt  }
0x5e: {  	_ =	shalt  }
0x5f: {  	_ =	shalt  }
0x60: {  	_ =	shalt  }
0x61: {  	_ =	shalt  }
0x62: {  	_ =	shalt  }
0x63: {  	_ =	shalt  }
0x64: {  	_ =	shalt  }
0x65: {  	_ =	shalt  }
0x66: {  	_ =	shalt  }
0x67: {  	_ =	shalt  }
0x68: {  	_ =	shalt  }
0x69: {  	_ =	shalt  }
0x6a: {  	_ =	shalt  }
0x6b: {  	_ =	shalt  }
0x6c: {  	_ =	shalt  }
0x6d: {  	_ =	shalt  }
0x6e: {  	_ =	shalt  }
0x6f: {  	_ =	shalt  }
0x70: {  	_ =	shalt  }
0x71: {  	_ =	shalt  }
0x72: {  	_ =	shalt  }
0x73: {  	_ =	shalt  }
0x74: {  	_ =	shalt  }
0x75: {  	_ =	shalt  }
0x76: {  	_ =	shalt  }
0x77: {  	_ =	shalt  }
0x78: {  	_ =	shalt  }
0x79: {  	_ =	shalt  }
0x7a: {  	_ =	shalt  }
0x7b: {  	_ =	shalt  }
0x7c: {  	_ =	shalt  }
0x7d: {  	_ =	shalt  }
0x7e: {  	_ =	shalt  }
0x7f: {  	_ =	shalt  }
0x80: {  	_ =	shalt  }
0x81: {  	_ =	shalt  }
0x82: {  	_ =	shalt  }
0x83: {  	_ =	shalt  }
0x84: {  	_ =	shalt  }
0x85: {  	_ =	shalt  }
0x86: {  	_ =	shalt  }
0x87: {  	_ =	shalt  }
.Lfunc_end0:
.L_simem_size_0:
called_computation.2_lowered:
.L_overlay_start_0:
0x88: {  	s2 =	sld [smem:$0x3FD9]  }
0x89: {  	s3 =	sld [smem:$0x3FFE];
	_ =	sdelay $0x1  }
0x8a: {  	s1 =	srdreg.scid  }
0x8b: {  	s0 =	sand.u32 $0x1, s1  }
0x8c: {  	s17 =	sshll.u32 s0, $0xA;
	s2 =	sadd.s32 s3, s2  }
0x8d: {  	s2 =	sadd.s32 s2, s17  }
0x8e: {  	[smem:$0x3FC2] =	sst s2  }
0x8f: {  	_ = 	snop  }
0x90: {  	s2 =	sld [smem:$0x3FD0];
	(tm) =	ssettm $0x1  }
0x91: {  	s18 =	sld [smem:$0x3FFB];
	_ =	sdelay $0x3  }
0x92: {  	_ =	strace s18  }
0x93: {  	s3 =	sld [smem:$0x3FFC];
	_ =	sdelay $0x3  }
0x94: {  	_ =	strace s3  }
0x95: {  	s3 =	sld [smem:$0x3FFD];
	_ =	sdelay $0x3  }
0x96: {  	_ =	strace s3  }
0x97: {  	_ =	strace $0x8FFFFFFF  }
0x98: {  	s19 =	sld [smem:$0x3FDB];
	_ =	sdelay $0x1  }
0x99: {  	s4 =	simm.s32 $_scs_section_size  }
0x9a: {  	s5 =	simm.s32 $_size__tile_overlayer_lowered;
	s6 =	simm.s32 $_tile_overlayer_lowered  }
0x9b: {  	s22 =	simm.s32 $0x1BFF;
	s21 =	sshll.u32 s6, $0x1;
	s3 =	sadd.s32 s4, s19  }
0x9c: {  	s7 =	simm.s32 $0x0;
	s20 =	sshll.u32 s5, $0x1;
	s5 =	sadd.s32 s21, s3  }
0x9d: {  	[timem:s7], [sflag:s22] =	dma.local [hbm:s5], s20  }
0x9e: {  	_ =	swait.ge [sflag:s22], s20  }
0x9f: {  	s4 =	ssub.s32 $0x0, s20;
	[sflag:s22] =	ssyncset.done $0x0  }
0xa0: {  	[sflag:s22] =	ssyncadd.s32 s4;
	_ =	sdelay $0x1  }
0xa1: {  	s23 =	simm.s32 $0x1B8B  }
0xa2: {  	_ =	swait.ge [sflag:s23], $0x1  }
0xa3: {  	[sflag:s23] =	ssyncset.done $0x0  }
0xa4: {  	s25 =	simm.s32 $0x1B8E;
	s24 =	sld [smem:$0x3FFE];
	[sflag:s23] =	ssyncadd.s32 $0xFFFFFFFF  }
0xa5: {  	s26 =	simm.s32 $execute0_lowered;
	[smem:$0x3FD2] =	sst s25  }
0xa6: {  	s5 =	sshll.u32 s26, $0x1;
	_ =	strace $0x8000004C;
	[dreg:$0x1] =	wrdreg $0xFFFFFFFF  }
0xa7: {  	s28 =	simm.s32 $_size_execute0_lowered;
	s3 =	sadd.s32 s3, s5;
	[dreg:$0x0] =	wrdreg $0x0  }
0xa8: {  	s5 =	sshll.u32 s28, $0x1;
	[dreg:$0x2] =	wrdreg s3  }
0xa9: {  	[dreg:$0x3] =	wrdreg s5  }
0xaa: {  	[dreg:$0x4] =	wrdreg $0xC0  }
0xab: {  	_ =	task [dreg:s7], $0x5FFFF  }
0xac: {  	[dreg:$0x1] =	wrdreg $0xFFFFFFFF  }
0xad: {  	[dreg:$0x0] =	wrdreg $0x60  }
0xae: {  	[dreg:$0x2] =	wrdreg s24  }
0xaf: {  	[dreg:$0x3] =	wrdreg s2  }
0xb0: {  	[dreg:$0x4] =	wrdreg $0x4A000  }
0xb1: {  	[dreg:$0x5] =	wrdreg $0x9  }
0xb2: {  	_ =	task.clear_ibuf [dreg:s7], $0x6FFFF;
	_ =	strace $0x9000004C  }
0xb3: {  	s29 =	simm.s32 $0x9;
	_ =	strace $0x8000004E  }
0xb4: {  	_ =	swait.ge [sflag:s29], $0x1  }
0xb5: {  	[sflag:s29] =	ssyncadd.s32 $0xFFFFFFFF  }
0xb6: {  	_ =	strace $0x9000004E  }
0xb7: {  	_ =	sfence  }
0xb8: {  	s30 =	sld [smem:$0x0];
	_ =	sdelay $0x2  }
0xb9: {  	s31 =	sshll.u32 s1, $0xD;
	s1 =	sshrl.u32 s1, $0x2  }
0xba: {  	s3 =	sand.u32 $0x4000, s31;
	s1 =	sadd.s32 s1, s30  }
0xbb: {  	s0 =	sor.u32 s3, s0;
	s1 =	sshll.u32 s1, $0x11  }
0xbc: {  	s0 =	sor.u32 s1, s0  }
0xbd: {  	s0 =	sadd.s32 $0x8F2B, s0  }
0xbe: {  	[sflag:s0] =	ssyncadd.remote.s32 $0x1  }
0xbf: {  	_ =	sfence.sel $0xFFFF  }
0xc0: {  	[dreg:$0x0] =	wrdreg $0xFFFFFFFF;
	(pc) =	sbr.abs _section_cstart, $3  }
0xc1: {  	[dreg:$0x1] =	wrdreg $0xFFFFFFFF  }
0xc2: {  	_ =	task.clear_ibuf [dreg:s7], $0x2FFFF;
	_ =	strace $0x9FFFFFFF  }
0xc3: {  	(tm) =	ssettm $0x7FFFFFFF  }
tec
execute0_lowered:
.L_overlay_start_1:
0x0: {  	(tag) =	ssettag $0x1  }
0x1: {  	s5 =	rddreg [dreg:$0x0]  }
0x2: {  	s14 =	rddreg [dreg:$0x1];
	s0 =	srdreg.scid  }
0x3: {  	s2 =	rddreg [dreg:$0x2];
	s1 =	stileid.u32  }
0x4: {  	s3 =	simm.s32 $0x0;
	s17 =	simm.s32 $0x2;
	s18 =	simm.s32 $0x80  }
0x5: {  	s19 =	simm.s32 $0x1;
	s20 =	simm.s32 $0x100;
	s21 =	simm.s32 $0x180  }
0x6: {  	s22 =	simm.s32 $0x10;
	s23 =	simm.s32 $0x4200;
	s8 =	smul.u32 $0x14000, s1  }
0x7: {  	s6 =	sand.u32 $0x1, s0;
	s0 =	rddreg [dreg:$0x3];
	s10 =	smul.u32 $0x2710, s1  }
0x8: {  	s24 =	simm.s32 $0x0;
	[smem:$0x7FF] =	sst s3;
	s25 =	smul.u32 $0x50000, s1  }
0x9: {  	s15 =	sadd.s32 $0x2A00, s5;
	s4 =	sadd.s32 $0xC800, s5;
	s9 =	smul.u32 $0x27100, s6  }
0xa: {  	s7 =	smul.u32 $0x140000, s6;
	_ =	strace $0x8000004D;
	s28 =	ssub.s32 $0x2, s6  }
0xb: {  	s6 =	sshrl.u32 s28, $0x1;
	s29 =	sshrl.u32 s25, $0x2;
	s9 =	sadd.s32 s10, s9  }
0xc: {  	s7 =	sadd.s32 s8, s7;
	s31 =	ssub.s32 s28, s6;
	s16 =	sshrl.u32 s9, $0x3  }
0xd: {  	s7 =	sshrl.u32 s7, $0x3;
	s9 =	smax.u32 s31, $0x1;
	s30 =	sadd.s32 $0x4E0, s16  }
0xe: {  	s26 =	sadd.s32 s7, s5;
	s5 =	sadd.s32 s29, s2;
	s6 =	sadd.s32 s15, s30  }
0xf: {  	s7 =	sadd.s32 s14, s30;
	s8 =	sadd.s32 $0x33A00, s26;
	s10 =	sadd.s32 $0x4000, s5  }
0x10: {  	s11 =	sadd.s32 $0x8000, s5;
	s12 =	sadd.s32 $0xC000, s5;
	s13 =	sadd.s32 $0x10000, s5  }
0x11: {  	v0 =	vimm.f32 $0.0e+00;
	s14 =	sadd.s32 s16, s14;
	s15 =	sadd.s32 s16, s15;
	s16 =	simm.s32 $0x200  }
.LBB2_1:
0x12: {  	s25 =	simm.s32 $0x0;
	s26 =	simm.s32 $0x200  }
.LBB2_2:
0x13: {  	p0 =	sne.s32 s26, $0xFE00;
	[tilespmem:s25+$0x270] =	vst v0  }
0x14: {  	[tilespmem:s25+$0x200] =	vst v0  }
0x15: {  	[tilespmem:s25+$0x210] =	vst v0  }
.Ltmp0:
0x16: {  	[tilespmem:s25+$0x220] =	vst v0;
	(pc) =	sbr.rel @p0 .LBB2_2-.Ltmp0, $4  }
0x17: {  	[tilespmem:s25+$0x230] =	vst v0  }
0x18: {  	[tilespmem:s25+$0x240] =	vst v0  }
0x19: {  	[tilespmem:s25+$0x250] =	vst v0  }
0x1a: {  	[tilespmem:s25+$0x260] =	vst v0;
	s25 =	sshra.s32 s26, $0x2;
	s26 =	sadd.s32 $0x200, s26  }
0x1b: {  	[tilespmem:s25+$0x270] =	vst v0  }
0x1c: {  	[tilespmem:s25+$0x200] =	vst v0  }
0x1d: {  	[tilespmem:s25+$0x210] =	vst v0  }
0x1e: {  	[tilespmem:s25+$0x220] =	vst v0  }
0x1f: {  	[tilespmem:s25+$0x230] =	vst v0  }
0x20: {  	[tilespmem:s25+$0x240] =	vst v0  }
0x21: {  	[tilespmem:s25+$0x250] =	vst v0  }
0x22: {  	[tilespmem:s25+$0x260] =	vst v0  }
0x23: {  	[spmem:s5] =	stream.linear.scatter [tilespmem:s16], [sflag:$0x2], $0x4000, $0x38;
	[tilespmem:$0x18A00] =	vst v63  }
0x24: {  	_ =	swait.ge [sflag:s17], $0x4000  }
0x25: {  	[sflag:s17] =	ssyncset.done $0x0  }
0x26: {  	[sflag:s17] =	ssyncadd.s32 $0xFFFFC000  }
0x27: {  	[spmem:s10] =	stream.linear.scatter [tilespmem:s16], [sflag:$0x2], $0x4000, $0x38;
	[tilespmem:$0x18A00] =	vst v63  }
0x28: {  	_ =	swait.ge [sflag:s17], $0x4000  }
0x29: {  	[sflag:s17] =	ssyncset.done $0x0  }
0x2a: {  	[sflag:s17] =	ssyncadd.s32 $0xFFFFC000  }
0x2b: {  	[spmem:s11] =	stream.linear.scatter [tilespmem:s16], [sflag:$0x2], $0x4000, $0x38;
	[tilespmem:$0x18A00] =	vst v63  }
0x2c: {  	_ =	swait.ge [sflag:s17], $0x4000  }
0x2d: {  	[sflag:s17] =	ssyncset.done $0x0  }
0x2e: {  	[sflag:s17] =	ssyncadd.s32 $0xFFFFC000  }
0x2f: {  	[spmem:s12] =	stream.linear.scatter [tilespmem:s16], [sflag:$0x2], $0x4000, $0x38;
	[tilespmem:$0x18A00] =	vst v63  }
0x30: {  	_ =	swait.ge [sflag:s17], $0x4000  }
0x31: {  	[sflag:s17] =	ssyncset.done $0x0  }
0x32: {  	[sflag:s17] =	ssyncadd.s32 $0xFFFFC000  }
0x33: {  	[spmem:s13] =	stream.linear.scatter [tilespmem:s16], [sflag:$0x2], $0x4000, $0x38;
	[tilespmem:$0x18A00] =	vst v63  }
0x34: {  	_ =	swait.ge [sflag:s17], $0x4000  }
0x35: {  	[sflag:s17] =	ssyncset.done $0x0  }
0x36: {  	[sflag:s17] =	ssyncadd.s32 $0xFFFFC000  }
0x37: {  	s30 =	sadd.s32 $0x0, s15;
	[bflag:$0x0] =	sbarrier.arrive $0xFFFF  }
0x38: {  	[tilespmem:s3], [sflag:$0x2] =	stream.linear.gather [hbm4b:s30+s3], $0x80, $0x38;
	[tilespmem:$0x18A00] =	vst v63  }
0x39: {  	_ =	swait.ge [sflag:s17], $0x80  }
0x3a: {  	[sflag:s17] =	ssyncset.done $0x0  }
0x3b: {  	s31 =	sadd.s32 $0x0, s14;
	[sflag:s17] =	ssyncadd.s32 $0xFFFFFF80  }
0x3c: {  	[tilespmem:s18], [sflag:$0x2] =	stream.linear.gather [hbm4b:s31+s3], $0x80, $0x38;
	[tilespmem:$0x18A00] =	vst v63  }
0x3d: {  	_ =	swait.ge [sflag:s17], $0x80  }
0x3e: {  	[sflag:s17] =	ssyncset.done $0x0  }
0x3f: {  	[sflag:s17] =	ssyncadd.s32 $0xFFFFFF80  }
0x40: {  	[tilespmem:s16], [sflag:$0x1] =	stream.indirect.gather [hbm4b:s4+s18], $0x80, s3, s18, $0xb8;
	[tilespmem:$0x18A00] =	vst v63  }
0x41: {  	_ =	swait.ge [sflag:s19], $0x4000  }
0x42: {  	[sflag:s19] =	ssyncset.done $0x0  }
0x43: {  	[sflag:s19] =	ssyncadd.s32 $0xFFFFC000  }
0x44: {  	[spmem:s2] =	stream.indirect.scatter.add.f32 [tilespmem:s16], [sflag:$0x2], $0x80, s18, s18, $0xb8;
	[tilespmem:$0x18A00] =	vst v63  }
0x45: {  	_ =	swait.ge [sflag:s17], $0x4000  }
0x46: {  	s25 =	simm.s32 $0x10;
	s26 =	simm.s32 $0x20;
	[sflag:s17] =	ssyncset.done $0x0  }
.LBB2_4:
0x47: {  	s28 =	sadd.s32 s25, s15  }
0x48: {  	[sflag:s17] =	ssyncadd.s32 $0xFFFFC000;
	s29 =	smov.u32 s26;
	s30 =	sadd.s32 $0x10, s26  }
0x49: {  	[tilespmem:s3], [sflag:$0x2] =	stream.linear.gather [hbm4b:s28+s3], $0x80, $0x38;
	[tilespmem:$0x18A00] =	vst v63  }
0x4a: {  	p0 =	sne.s32 s26, $0x4D0;
	_ =	swait.ge [sflag:s17], $0x80  }
0x4b: {  	[sflag:s17] =	ssyncset.done $0x0  }
0x4c: {  	s26 =	sadd.s32 s25, s14;
	s25 =	smov.u32 s29;
	[sflag:s17] =	ssyncadd.s32 $0xFFFFFF80  }
0x4d: {  	[tilespmem:s18], [sflag:$0x2] =	stream.linear.gather [hbm4b:s26+s3], $0x80, $0x38;
	[tilespmem:$0x18A00] =	vst v63  }
0x4e: {  	_ =	swait.ge [sflag:s17], $0x80  }
0x4f: {  	[sflag:s17] =	ssyncset.done $0x0  }
0x50: {  	[sflag:s17] =	ssyncadd.s32 $0xFFFFFF80  }
0x51: {  	[tilespmem:s16], [sflag:$0x1] =	stream.indirect.gather [hbm4b:s4+s18], $0x80, s3, s18, $0xb8;
	[tilespmem:$0x18A00] =	vst v63  }
0x52: {  	_ =	swait.ge [sflag:s19], $0x4000  }
.Ltmp1:
0x53: {  	[sflag:s19] =	ssyncset.done $0x0;
	(pc) =	sbr.rel @p0 .LBB2_4-.Ltmp1, $4  }
0x54: {  	[sflag:s19] =	ssyncadd.s32 $0xFFFFC000  }
0x55: {  	[spmem:s2] =	stream.indirect.scatter.add.f32 [tilespmem:s16], [sflag:$0x2], $0x80, s18, s18, $0xb8;
	[tilespmem:$0x18A00] =	vst v63  }
0x56: {  	_ =	swait.ge [sflag:s17], $0x4000  }
0x57: {  	s26 =	smov.u32 s30;
	[sflag:s17] =	ssyncset.done $0x0  }
0x58: {  	s26 =	sadd.s32 s25, s15;
	[sflag:s17] =	ssyncadd.s32 $0xFFFFC000  }
0x59: {  	[tilespmem:s3], [sflag:$0x2] =	stream.linear.gather [hbm4b:s26+s3], $0x80, $0x38;
	[tilespmem:$0x18A00] =	vst v63  }
0x5a: {  	_ =	swait.ge [sflag:s17], $0x80  }
0x5b: {  	[sflag:s17] =	ssyncset.done $0x0  }
0x5c: {  	s29 =	sadd.s32 s25, s14;
	[sflag:s17] =	ssyncadd.s32 $0xFFFFFF80  }
0x5d: {  	[tilespmem:s18], [sflag:$0x2] =	stream.linear.gather [hbm4b:s29+s3], $0x80, $0x38;
	[tilespmem:$0x18A00] =	vst v63  }
0x5e: {  	_ =	swait.ge [sflag:s17], $0x80  }
0x5f: {  	[sflag:s17] =	ssyncset.done $0x0  }
0x60: {  	[sflag:s17] =	ssyncadd.s32 $0xFFFFFF80  }
0x61: {  	[tilespmem:s16], [sflag:$0x1] =	stream.indirect.gather [hbm4b:s4+s18], $0x80, s3, s18, $0xb8;
	[tilespmem:$0x18A00] =	vst v63  }
0x62: {  	_ =	swait.ge [sflag:s19], $0x4000  }
0x63: {  	[sflag:s19] =	ssyncset.done $0x0  }
0x64: {  	[sflag:s19] =	ssyncadd.s32 $0xFFFFC000  }
0x65: {  	[spmem:s2] =	stream.indirect.scatter.add.f32 [tilespmem:s16], [sflag:$0x2], $0x80, s18, s18, $0xb8;
	[tilespmem:$0x18A00] =	vst v63  }
0x66: {  	_ =	swait.ge [sflag:s17], $0x4000  }
0x67: {  	[sflag:s17] =	ssyncset.done $0x0  }
0x68: {  	[sflag:s17] =	ssyncadd.s32 $0xFFFFC000  }
0x69: {  	[tilespmem:s20], [sflag:$0x2] =	stream.linear.gather [hbm4b:s6+s3], $0x10, $0x38;
	[tilespmem:$0x18A00] =	vst v63  }
0x6a: {  	_ =	swait.ge [sflag:s17], $0x10  }
0x6b: {  	[sflag:s17] =	ssyncset.done $0x0  }
0x6c: {  	[sflag:s17] =	ssyncadd.s32 $0xFFFFFFF0  }
0x6d: {  	[tilespmem:s21], [sflag:$0x2] =	stream.linear.gather [hbm4b:s7+s3], $0x10, $0x38;
	[tilespmem:$0x18A00] =	vst v63  }
0x6e: {  	_ =	swait.ge [sflag:s17], $0x10  }
0x6f: {  	[sflag:s17] =	ssyncset.done $0x0  }
0x70: {  	[sflag:s17] =	ssyncadd.s32 $0xFFFFFFF0  }
0x71: {  	[tilespmem:s23], [sflag:$0x1] =	stream.indirect.gather [hbm4b:s4+s22], $0x80, s20, s22, $0xb8;
	[tilespmem:$0x18A00] =	vst v63  }
0x72: {  	_ =	swait.ge [sflag:s19], $0x800  }
0x73: {  	[sflag:s19] =	ssyncset.done $0x0  }
0x74: {  	[sflag:s19] =	ssyncadd.s32 $0xFFFFF800  }
0x75: {  	[spmem:s2] =	stream.indirect.scatter.add.f32 [tilespmem:s23], [sflag:$0x2], $0x80, s21, s22, $0xb8;
	[tilespmem:$0x18A00] =	vst v63  }
0x76: {  	_ =	swait.ge [sflag:s17], $0x800  }
0x77: {  	s30 =	sshll.u32 s1, $0x6;
	s24 =	sadd.s32 $0x1, s24;
	[sflag:s17] =	ssyncset.done $0x0  }
0x78: {  	s31 =	sshrl.u32 s5, $0x3;
	p0 =	sne.s32 s24, s9;
	[sflag:s17] =	ssyncadd.s32 $0xFFFFF800  }
.Ltmp2:
0x79: {  	s25 =	sor.u32 $0x1C02, s30;
	[bflag:$0x0] =	sbarrier.arrive $0xFFFF;
	(pc) =	sbr.rel @p0 .LBB2_1-.Ltmp2, $4  }
0x7a: {  	[hbm:s8], [sflag:s25] =	dma.local [spmem:s31], $0x2800  }
0x7b: {  	_ =	swait.ge [sflag:s17], $0x2800  }
0x7c: {  	[sflag:s17] =	ssyncset.done $0x0  }
0x7d: {  	[sflag:s17] =	ssyncadd.s32 $0xFFFFD800  }
0x7e: {  	_ =	sfence.sel $0x180000  }
0x7f: {  	[bflag:$0x0] =	sbarrier.arrive $0xFFFF  }
0x80: {  	p0 =	sne.s32 s1, $0x0;
	_ =	strace $0x9000004D  }
0x81: {  	s0 =	sadd.s32 @!p0 $0x100000, s0;
	[bflag:$0x2] =	sbarrier.arrive $0xFFFF  }
0x82: {  	[sflag:s0] =	ssyncadd.tile.s32 @!p0 $0x1;
	_ =	shalt  }
.Lfunc_end2:
_tile_overlayer_lowered:
.L_overlay_start_2:
0x83: {  	(tag) =	ssettag $0x2  }
0x84: {  	s0 =	rddreg [dreg:$0x0];
	s2 =	stileid.u32  }
0x85: {  	s1 =	rddreg [dreg:$0x1];
	p0 =	sne.s32 s2, $0x0  }
0x86: {  	s3 =	rddreg [dreg:$0x2];
	[bflag:$0x3] =	sbarrier.arrive $0xFFFF;
	s2 =	simm.s32 @!p0 $0x1C02  }
0x87: {  	[timem:s3], [sflag:s2] =	dma.local @!p0 [hbm:s0], s1  }
0x88: {  	s0 =	simm.s32 @!p0 $0x2  }
0x89: {  	_ =	swait.ge @!p0 [sflag:s0], s1  }
0x8a: {  	s1 =	ssub.s32 @!p0 $0x0, s1;
	[sflag:s0] =	ssyncset.done @!p0 $0x0  }
0x8b: {  	[sflag:s0] =	ssyncadd.s32 @!p0 s1  }
0x8c: {  	[bflag:$0x3] =	sbarrier.arrive $0xFFFF  }
0x8d: {  	_ =	shalt  }

// kernel: kernel.8.cloned.1.call-start
scs
__scs_entry_jumppad:
0x0: {  	(pc) =	sbr.rel $0x88, $3  }
0x1: {  	(tag) =	ssettag $0x0;
	lr =	simm.s32 $0x1  }
0x2: {  	[smem:$0x3F9B] =	sst lr;
	_ =	strace $0xD0000000  }
0x3: {  	_ = 	snop  }
0x4: {  	_ = 	snop  }
0x5: {  	_ = 	snop  }
0x6: {  	_ = 	snop  }
0x7: {  	_ = 	snop  }
__scs_overlays_trampoline_lowered:
0x8: {  	[smem:$0x3FAA] =	sst s0  }
0x9: {  	[smem:$0x3FAB] =	sst s1  }
0xa: {  	[smem:$0x3FAC] =	sst s2  }
0xb: {  	[smem:$0x3FAD] =	sst s3  }
0xc: {  	[smem:$0x3FAE] =	sst s4  }
0xd: {  	[smem:$0x3FAF] =	sst s5  }
0xe: {  	[smem:$0x3FB0] =	sst s6  }
0xf: {  	[smem:$0x3FB1] =	sst s7  }
0x10: {  	[smem:$0x3FB2] =	sst s8  }
0x11: {  	[smem:$0x3FB3] =	sst s9;
	s0 =	simm.s32 @!p0 $0x0  }
0x12: {  	s1 =	sld [smem:$0x3F99];
	s0 =	simm.s32 @p0 $0x1  }
0x13: {  	[smem:$0x3FB4] =	sst s0;
	s0 =	simm.s32 @!p1 $0x0  }
0x14: {  	s2 =	sld [smem:$0x3F98];
	s0 =	simm.s32 @p1 $0x1  }
0x15: {  	[smem:$0x3FB5] =	sst s0;
	s0 =	simm.s32 @!p2 $0x0  }
0x16: {  	s3 =	sld [smem:$0x3FDB];
	s0 =	simm.s32 @p2 $0x1  }
0x17: {  	s4 =	simm.s32 $0x1BF5;
	[smem:$0x3FB7] =	sst s0  }
0x18: {  	s0 =	sld [smem:$0x3F9A];
	_ =	swait.ge [sflag:s4], $0x0  }
0x19: {  	s7 =	sld [smem:$0x3F9B]  }
0x1a: {  	s8 =	sadd.s32 $0xFFFFE003, lr  }
0x1b: {  	s9 =	sadd.s32 $0xFFFFFEF7, lr;
	s5 =	simm.s32 $0xFFFFFFFF;
	p2 =	slt.u32 s8, $0xFFFFF086  }
0x1c: {  	p1 =	slt.u32 s9, $0xF7A;
	s5 =	simm.s32 @!p2 $0x0  }
0x1d: {  	s5 =	simm.s32 @p1 $0x1;
	p0 =	seq.s32 s7, s2  }
0x1e: {  	s7 =	smul.u32 @!p0 $0xF7A, s2;
	p2 =	seq.s32 @!p0 s5, $0x0  }
0x1f: {  	s9 =	smul.u32 $0xF7A, s1;
	s8 =	simm.s32 @!p0 $0x1BF5;
	p2 =	por !p2, p0  }
0x20: {  	[sflag:s8] =	ssyncset.s32 @!p0 $0xFFFFF086;
	s6 =	sadd.s32 @!p0 s3, s7;
	s7 =	simm.s32 @!p0 $0x108  }
0x21: {  	s3 =	sadd.s32 s3, s9;
	s6 =	sadd.s32 @!p0 $0x88, s6;
	s7 =	simm.s32 @p2 $0x1082  }
0x22: {  	[simem:s7], [sflag:s8] =	dma.local @!p0 [hbm:s6], $0xF7A  }
0x23: {  	s9 =	sor.u32 $0xD0000000, s2;
	s6 =	simm.s32 $0x108;
	_ =	swait.ge @!p0 [sflag:s8], $0x0  }
0x24: {  	s3 =	sadd.s32 $0x88, s3;
	s6 =	simm.s32 @!p1 $0x1082;
	[sflag:s4] =	ssyncset.s32 $0xFFFFF086  }
0x25: {  	[simem:s6], [sflag:s4] =	dma.local [hbm:s3], $0xF7A  }
0x26: {  	[smem:$0x3F9B] =	sst s1;
	(tag) =	ssettag s2;
	_ =	strace s9  }
0x27: {  	s1 =	sld [smem:$0x3FAB]  }
0x28: {  	s2 =	sld [smem:$0x3FAC]  }
0x29: {  	s4 =	sld [smem:$0x3FAE]  }
0x2a: {  	p0 =	seq.s32 s5, $0x0;
	s5 =	sld [smem:$0x3FAF]  }
0x2b: {  	s6 =	sld [smem:$0x3FB0]  }
0x2c: {  	s7 =	sld [smem:$0x3FB1]  }
0x2d: {  	s3 =	simm.s32 $0x108;
	s8 =	sld [smem:$0x3FB2]  }
0x2e: {  	s3 =	simm.s32 @!p0 $0x1082;
	s9 =	sld [smem:$0x3FB3]  }
0x2f: {  	lr =	sadd.s32 s0, s3;
	s0 =	sld [smem:$0x3FAA]  }
0x30: {  	s3 =	sld [smem:$0x3FAD]  }
0x31: {  	[smem:$0x3FB6] =	sst s10  }
0x32: {  	s10 =	sld [smem:$0x3FB4];
	_ =	sdelay $0x3  }
0x33: {  	p0 =	seq.s32 s10, $0x1;
	s10 =	sld [smem:$0x3FB6];
	_ =	sdelay $0x3  }
0x34: {  	[smem:$0x3FB6] =	sst s10  }
0x35: {  	s10 =	sld [smem:$0x3FB5];
	_ =	sdelay $0x3  }
0x36: {  	p1 =	seq.s32 s10, $0x1;
	s10 =	sld [smem:$0x3FB6];
	_ =	sdelay $0x3  }
0x37: {  	[smem:$0x3FB6] =	sst s10  }
0x38: {  	s10 =	sld [smem:$0x3FB7]  }
0x39: {  	_ = 	snop;
	(pc) =	sbr.ind lr, $3  }
0x3a: {  	_ = 	snop  }
0x3b: {  	_ = 	snop  }
0x3c: {  	p2 =	seq.s32 s10, $0x1;
	s10 =	sld [smem:$0x3FB6]  }
0x3d: {  	_ =	shalt  }
0x3e: {  	_ =	shalt  }
0x3f: {  	_ =	shalt  }
0x40: {  	_ =	shalt  }
0x41: {  	_ =	shalt  }
0x42: {  	_ =	shalt  }
0x43: {  	_ =	shalt  }
0x44: {  	_ =	shalt  }
0x45: {  	_ =	shalt  }
0x46: {  	_ =	shalt  }
0x47: {  	_ =	shalt  }
0x48: {  	_ =	shalt  }
0x49: {  	_ =	shalt  }
0x4a: {  	_ =	shalt  }
0x4b: {  	_ =	shalt  }
0x4c: {  	_ =	shalt  }
0x4d: {  	_ =	shalt  }
0x4e: {  	_ =	shalt  }
0x4f: {  	_ =	shalt  }
0x50: {  	_ =	shalt  }
0x51: {  	_ =	shalt  }
0x52: {  	_ =	shalt  }
0x53: {  	_ =	shalt  }
0x54: {  	_ =	shalt  }
0x55: {  	_ =	shalt  }
0x56: {  	_ =	shalt  }
0x57: {  	_ =	shalt  }
0x58: {  	_ =	shalt  }
0x59: {  	_ =	shalt  }
0x5a: {  	_ =	shalt  }
0x5b: {  	_ =	shalt  }
0x5c: {  	_ =	shalt  }
0x5d: {  	_ =	shalt  }
0x5e: {  	_ =	shalt  }
0x5f: {  	_ =	shalt  }
0x60: {  	_ =	shalt  }
0x61: {  	_ =	shalt  }
0x62: {  	_ =	shalt  }
0x63: {  	_ =	shalt  }
0x64: {  	_ =	shalt  }
0x65: {  	_ =	shalt  }
0x66: {  	_ =	shalt  }
0x67: {  	_ =	shalt  }
0x68: {  	_ =	shalt  }
0x69: {  	_ =	shalt  }
0x6a: {  	_ =	shalt  }
0x6b: {  	_ =	shalt  }
0x6c: {  	_ =	shalt  }
0x6d: {  	_ =	shalt  }
0x6e: {  	_ =	shalt  }
0x6f: {  	_ =	shalt  }
0x70: {  	_ =	shalt  }
0x71: {  	_ =	shalt  }
0x72: {  	_ =	shalt  }
0x73: {  	_ =	shalt  }
0x74: {  	_ =	shalt  }
0x75: {  	_ =	shalt  }
0x76: {  	_ =	shalt  }
0x77: {  	_ =	shalt  }
0x78: {  	_ =	shalt  }
0x79: {  	_ =	shalt  }
0x7a: {  	_ =	shalt  }
0x7b: {  	_ =	shalt  }
0x7c: {  	_ =	shalt  }
0x7d: {  	_ =	shalt  }
0x7e: {  	_ =	shalt  }
0x7f: {  	_ =	shalt  }
0x80: {  	_ =	shalt  }
0x81: {  	_ =	shalt  }
0x82: {  	_ =	shalt  }
0x83: {  	_ =	shalt  }
0x84: {  	_ =	shalt  }
0x85: {  	_ =	shalt  }
0x86: {  	_ =	shalt  }
0x87: {  	_ =	shalt  }
.Lfunc_end0:
.L_simem_size_0:
called_computation_lowered:
.L_overlay_start_0:
0x88: {  	s2 =	sld [smem:$0x3FD9]  }
0x89: {  	s3 =	sld [smem:$0x3FFE];
	_ =	sdelay $0x1  }
0x8a: {  	s1 =	srdreg.scid  }
0x8b: {  	s0 =	sand.u32 $0x1, s1  }
0x8c: {  	s17 =	sshll.u32 s0, $0xA;
	s2 =	sadd.s32 s3, s2  }
0x8d: {  	s2 =	sadd.s32 s2, s17  }
0x8e: {  	[smem:$0x3FC2] =	sst s2  }
0x8f: {  	_ = 	snop  }
0x90: {  	s2 =	sld [smem:$0x3FD0];
	(tm) =	ssettm $0x1  }
0x91: {  	s18 =	sld [smem:$0x3FFB];
	_ =	sdelay $0x3  }
0x92: {  	_ =	strace s18  }
0x93: {  	s3 =	sld [smem:$0x3FFC];
	_ =	sdelay $0x3  }
0x94: {  	_ =	strace s3  }
0x95: {  	s3 =	sld [smem:$0x3FFD];
	_ =	sdelay $0x3  }
0x96: {  	_ =	strace s3  }
0x97: {  	_ =	strace $0x8FFFFFFF  }
0x98: {  	s19 =	sld [smem:$0x3FDB];
	_ =	sdelay $0x1  }
0x99: {  	s4 =	simm.s32 $_scs_section_size  }
0x9a: {  	s5 =	simm.s32 $_size__tile_overlayer_lowered;
	s6 =	simm.s32 $_tile_overlayer_lowered  }
0x9b: {  	s22 =	simm.s32 $0x1BFF;
	s21 =	sshll.u32 s6, $0x1;
	s3 =	sadd.s32 s4, s19  }
0x9c: {  	s7 =	simm.s32 $0x0;
	s20 =	sshll.u32 s5, $0x1;
	s5 =	sadd.s32 s21, s3  }
0x9d: {  	[timem:s7], [sflag:s22] =	dma.local [hbm:s5], s20  }
0x9e: {  	_ =	swait.ge [sflag:s22], s20  }
0x9f: {  	s4 =	ssub.s32 $0x0, s20;
	[sflag:s22] =	ssyncset.done $0x0  }
0xa0: {  	[sflag:s22] =	ssyncadd.s32 s4;
	_ =	sdelay $0x1  }
0xa1: {  	s23 =	simm.s32 $0x1B8B  }
0xa2: {  	_ =	swait.ge [sflag:s23], $0x1  }
0xa3: {  	[sflag:s23] =	ssyncset.done $0x0  }
0xa4: {  	s25 =	simm.s32 $0x1B8E;
	s24 =	sld [smem:$0x3FFE];
	[sflag:s23] =	ssyncadd.s32 $0xFFFFFFFF  }
0xa5: {  	s26 =	simm.s32 $execute0_lowered;
	[smem:$0x3FD2] =	sst s25  }
0xa6: {  	s5 =	sshll.u32 s26, $0x1;
	_ =	strace $0x80000046;
	[dreg:$0x1] =	wrdreg $0xFFFFFFFF  }
0xa7: {  	s28 =	simm.s32 $_size_execute0_lowered;
	s3 =	sadd.s32 s3, s5;
	[dreg:$0x0] =	wrdreg $0x0  }
0xa8: {  	s5 =	sshll.u32 s28, $0x1;
	[dreg:$0x2] =	wrdreg s3  }
0xa9: {  	[dreg:$0x3] =	wrdreg s5  }
0xaa: {  	[dreg:$0x4] =	wrdreg $0xC0  }
0xab: {  	_ =	task [dreg:s7], $0x5FFFF  }
0xac: {  	[dreg:$0x1] =	wrdreg $0xFFFFFFFF  }
0xad: {  	[dreg:$0x0] =	wrdreg $0x60  }
0xae: {  	[dreg:$0x2] =	wrdreg s2  }
0xaf: {  	[dreg:$0x3] =	wrdreg s24  }
0xb0: {  	[dreg:$0x4] =	wrdreg $0x4000  }
0xb1: {  	[dreg:$0x5] =	wrdreg $0x9  }
0xb2: {  	_ =	task.clear_ibuf [dreg:s7], $0x6FFFF;
	_ =	strace $0x90000046  }
0xb3: {  	s29 =	simm.s32 $0x9;
	_ =	strace $0x80000048  }
0xb4: {  	_ =	swait.ge [sflag:s29], $0x1  }
0xb5: {  	[sflag:s29] =	ssyncadd.s32 $0xFFFFFFFF  }
0xb6: {  	_ =	strace $0x90000048  }
0xb7: {  	_ =	sfence  }
0xb8: {  	s30 =	sld [smem:$0x0];
	_ =	sdelay $0x2  }
0xb9: {  	s31 =	sshll.u32 s1, $0xD;
	s1 =	sshrl.u32 s1, $0x2  }
0xba: {  	s3 =	sand.u32 $0x4000, s31;
	s1 =	sadd.s32 s1, s30  }
0xbb: {  	s0 =	sor.u32 s3, s0;
	s1 =	sshll.u32 s1, $0x11  }
0xbc: {  	s0 =	sor.u32 s1, s0  }
0xbd: {  	s0 =	sadd.s32 $0x8F2B, s0  }
0xbe: {  	[sflag:s0] =	ssyncadd.remote.s32 $0x1  }
0xbf: {  	_ =	sfence.sel $0xFFFF  }
0xc0: {  	[dreg:$0x0] =	wrdreg $0xFFFFFFFF;
	(pc) =	sbr.abs _section_cstart, $3  }
0xc1: {  	[dreg:$0x1] =	wrdreg $0xFFFFFFFF  }
0xc2: {  	_ =	task.clear_ibuf [dreg:s7], $0x2FFFF;
	_ =	strace $0x9FFFFFFF  }
0xc3: {  	(tm) =	ssettm $0x7FFFFFFF  }
tec
execute0_lowered:
.L_overlay_start_1:
0x0: {  	(tag) =	ssettag $0x1  }
0x1: {  	s4 =	rddreg [dreg:$0x0]  }
0x2: {  	s5 =	rddreg [dreg:$0x1];
	s1 =	srdreg.scid  }
0x3: {  	s0 =	stileid.u32;
	s2 =	rddreg [dreg:$0x2];
	s3 =	simm.s32 $0x0  }
0x4: {  	s11 =	simm.s32 $0x80;
	s12 =	simm.s32 $0x100;
	s13 =	simm.s32 $0x10  }
0x5: {  	s16 =	simm.s32 $0x20;
	s17 =	simm.s32 $0x0;
	s7 =	smul.u32 $0x500, s0  }
0x6: {  	s6 =	sand.u32 $0x1, s1;
	s1 =	rddreg [dreg:$0x3];
	s10 =	smul.u32 $0x2710, s0  }
0x7: {  	[smem:$0x7FF] =	sst s3;
	s28 =	smul.u32 $0xA00, s0;
	s14 =	sshll.u32 s0, $0x6  }
0x8: {  	s8 =	smul.u32 $0x27100, s6;
	s9 =	sshll.u32 s6, $0x7;
	_ =	strace $0x80000047  }
0x9: {  	s29 =	ssub.s32 $0x2, s6;
	s14 =	sor.u32 $0x1C01, s14;
	s7 =	sor.u32 s9, s7  }
0xa: {  	s31 =	sshrl.u32 s29, $0x1;
	s9 =	sshrl.u32 s28, $0x2;
	s7 =	sshrl.u32 s7, $0x3  }
0xb: {  	s8 =	sadd.s32 s10, s8;
	s10 =	simm.s32 $0x1;
	s7 =	sadd.s32 s7, s5  }
0xc: {  	s30 =	sshrl.u32 s8, $0x3;
	s8 =	ssub.s32 s29, s31;
	s5 =	sadd.s32 s9, s2  }
0xd: {  	s9 =	simm.s32 $0x180;
	s4 =	sadd.s32 s30, s4;
	s7 =	sadd.s32 $0xC800, s7  }
0xe: {  	v0 =	vimm.f32 $0.0e+00;
	v1 =	vimm.f32 $1.000000000e+00;
	s8 =	smax.u32 s8, $0x1;
	s15 =	sshrl.u32 s5, $0x3;
	s6 =	sadd.s32 $0x4E0, s4  }
.LBB2_1:
0xf: {  	[tilespmem:$0x180] =	vst v0  }
0x10: {  	[tilespmem:$0x190] =	vst v0  }
0x11: {  	[tilespmem:$0x1A0] =	vst v0  }
0x12: {  	[tilespmem:$0x1B0] =	vst v0  }
0x13: {  	[tilespmem:$0x1C0] =	vst v0  }
0x14: {  	[tilespmem:$0x1D0] =	vst v0  }
0x15: {  	[tilespmem:$0x1E0] =	vst v0  }
0x16: {  	[tilespmem:$0x1F0] =	vst v0  }
0x17: {  	[tilespmem:$0x200] =	vst v0  }
0x18: {  	[tilespmem:$0x210] =	vst v0  }
0x19: {  	[tilespmem:$0x220] =	vst v0  }
0x1a: {  	[tilespmem:$0x230] =	vst v0  }
0x1b: {  	[tilespmem:$0x240] =	vst v0  }
0x1c: {  	[tilespmem:$0x250] =	vst v0  }
0x1d: {  	[tilespmem:$0x260] =	vst v0  }
0x1e: {  	[tilespmem:$0x270] =	vst v0  }
0x1f: {  	[tilespmem:$0x280] =	vst v0  }
0x20: {  	[tilespmem:$0x290] =	vst v0  }
0x21: {  	[tilespmem:$0x2A0] =	vst v0  }
0x22: {  	[tilespmem:$0x2B0] =	vst v0  }
0x23: {  	[tilespmem:$0x2C0] =	vst v0  }
0x24: {  	[tilespmem:$0x2D0] =	vst v0  }
0x25: {  	[tilespmem:$0x2E0] =	vst v0  }
0x26: {  	[tilespmem:$0x2F0] =	vst v0  }
0x27: {  	[tilespmem:$0x300] =	vst v0  }
0x28: {  	[tilespmem:$0x310] =	vst v0  }
0x29: {  	[tilespmem:$0x320] =	vst v0  }
0x2a: {  	[tilespmem:$0x330] =	vst v0  }
0x2b: {  	[tilespmem:$0x340] =	vst v0  }
0x2c: {  	[tilespmem:$0x350] =	vst v0  }
0x2d: {  	[tilespmem:$0x360] =	vst v0  }
0x2e: {  	[tilespmem:$0x370] =	vst v0  }
0x2f: {  	[tilespmem:$0x380] =	vst v0  }
0x30: {  	[tilespmem:$0x390] =	vst v0  }
0x31: {  	[tilespmem:$0x3A0] =	vst v0  }
0x32: {  	[tilespmem:$0x3B0] =	vst v0  }
0x33: {  	[tilespmem:$0x3C0] =	vst v0  }
0x34: {  	[tilespmem:$0x3D0] =	vst v0  }
0x35: {  	[tilespmem:$0x3E0] =	vst v0  }
0x36: {  	[tilespmem:$0x3F0] =	vst v0  }
0x37: {  	[tilespmem:$0x100] =	vst v1  }
0x38: {  	[tilespmem:$0x110] =	vst v1  }
0x39: {  	[tilespmem:$0x120] =	vst v1  }
0x3a: {  	[tilespmem:$0x130] =	vst v1  }
0x3b: {  	[tilespmem:$0x140] =	vst v1  }
0x3c: {  	[tilespmem:$0x150] =	vst v1  }
0x3d: {  	[tilespmem:$0x160] =	vst v1  }
0x3e: {  	[tilespmem:$0x170] =	vst v1  }
0x3f: {  	[spmem:s5] =	stream.linear.scatter [tilespmem:s9], [sflag:$0x1], $0x280, $0x38;
	[tilespmem:$0x680] =	vst v63  }
0x40: {  	_ =	swait.ge [sflag:s10], $0x280  }
0x41: {  	[sflag:s10] =	ssyncset.done $0x0  }
0x42: {  	[sflag:s10] =	ssyncadd.s32 $0xFFFFFD80  }
0x43: {  	s18 =	sadd.s32 $0x0, s4;
	[bflag:$0x0] =	sbarrier.arrive $0xFFFF  }
0x44: {  	[tilespmem:s3], [sflag:$0x1] =	stream.linear.gather [hbm4b:s18+s3], $0x80, $0x38;
	[tilespmem:$0x680] =	vst v63  }
0x45: {  	_ =	swait.ge [sflag:s10], $0x80  }
0x46: {  	[sflag:s10] =	ssyncset.done $0x0  }
0x47: {  	[sflag:s10] =	ssyncadd.s32 $0xFFFFFF80  }
0x48: {  	[spmem:s2] =	stream.indirect.scatter.add.f32 [tilespmem:s12], [sflag:$0x1], $0x1, s3, s11, $0xb8;
	[tilespmem:$0x680] =	vst v63  }
0x49: {  	_ =	swait.ge [sflag:s10], $0x80  }
0x4a: {  	s19 =	simm.s32 $0x20;
	s18 =	simm.s32 $0x10;
	[sflag:s10] =	ssyncset.done $0x0  }
.LBB2_2:
0x4b: {  	s20 =	sadd.s32 s18, s4  }
0x4c: {  	[sflag:s10] =	ssyncadd.s32 $0xFFFFFF80;
	s18 =	smov.u32 s19;
	s21 =	sadd.s32 $0x10, s19  }
0x4d: {  	[tilespmem:s3], [sflag:$0x1] =	stream.linear.gather [hbm4b:s20+s3], $0x80, $0x38;
	[tilespmem:$0x680] =	vst v63  }
0x4e: {  	p0 =	sne.s32 s19, $0x4D0;
	_ =	swait.ge [sflag:s10], $0x80  }
.Ltmp0:
0x4f: {  	[sflag:s10] =	ssyncset.done $0x0;
	(pc) =	sbr.rel @p0 .LBB2_2-.Ltmp0, $4  }
0x50: {  	[sflag:s10] =	ssyncadd.s32 $0xFFFFFF80  }
0x51: {  	[spmem:s2] =	stream.indirect.scatter.add.f32 [tilespmem:s12], [sflag:$0x1], $0x1, s3, s11, $0xb8;
	[tilespmem:$0x680] =	vst v63  }
0x52: {  	_ =	swait.ge [sflag:s10], $0x80  }
0x53: {  	s19 =	smov.u32 s21;
	[sflag:s10] =	ssyncset.done $0x0  }
0x54: {  	s18 =	sadd.s32 s18, s4;
	[sflag:s10] =	ssyncadd.s32 $0xFFFFFF80  }
0x55: {  	[tilespmem:s3], [sflag:$0x1] =	stream.linear.gather [hbm4b:s18+s3], $0x80, $0x38;
	[tilespmem:$0x680] =	vst v63  }
0x56: {  	_ =	swait.ge [sflag:s10], $0x80  }
0x57: {  	[sflag:s10] =	ssyncset.done $0x0  }
0x58: {  	[sflag:s10] =	ssyncadd.s32 $0xFFFFFF80  }
0x59: {  	[spmem:s2] =	stream.indirect.scatter.add.f32 [tilespmem:s12], [sflag:$0x1], $0x1, s3, s11, $0xb8;
	[tilespmem:$0x680] =	vst v63  }
0x5a: {  	_ =	swait.ge [sflag:s10], $0x80  }
0x5b: {  	[sflag:s10] =	ssyncset.done $0x0  }
0x5c: {  	[sflag:s10] =	ssyncadd.s32 $0xFFFFFF80  }
0x5d: {  	[tilespmem:s11], [sflag:$0x1] =	stream.linear.gather [hbm4b:s6+s3], $0x10, $0x38;
	[tilespmem:$0x680] =	vst v63  }
0x5e: {  	_ =	swait.ge [sflag:s10], $0x10  }
0x5f: {  	[sflag:s10] =	ssyncset.done $0x0  }
0x60: {  	[sflag:s10] =	ssyncadd.s32 $0xFFFFFFF0  }
0x61: {  	[spmem:s2] =	stream.indirect.scatter.add.f32 [tilespmem:s12], [sflag:$0x1], $0x1, s11, s13, $0xb8;
	[tilespmem:$0x680] =	vst v63  }
0x62: {  	_ =	swait.ge [sflag:s10], $0x10  }
0x63: {  	s17 =	sadd.s32 $0x1, s17;
	[sflag:s10] =	ssyncset.done $0x0  }
0x64: {  	p0 =	sne.s32 s17, s8;
	[sflag:s10] =	ssyncadd.s32 $0xFFFFFFF0  }
.Ltmp1:
0x65: {  	[bflag:$0x0] =	sbarrier.arrive $0xFFFF;
	(pc) =	sbr.rel @p0 .LBB2_1-.Ltmp1, $4  }
0x66: {  	[hbm:s7@s16], [sflag:s14] =	dma.strided [spmem:s15@s13], $0x50, s10, $0x10   }
0x67: {  	_ =	swait.ge [sflag:s10], $0x50  }
0x68: {  	[sflag:s10] =	ssyncset.done $0x0  }
0x69: {  	[sflag:s10] =	ssyncadd.s32 $0xFFFFFFB0  }
0x6a: {  	_ =	sfence.sel $0x180000  }
0x6b: {  	[bflag:$0x0] =	sbarrier.arrive $0xFFFF  }
0x6c: {  	p0 =	sne.s32 s0, $0x0;
	_ =	strace $0x90000047  }
0x6d: {  	s0 =	sadd.s32 @!p0 $0x100000, s1;
	[bflag:$0x2] =	sbarrier.arrive $0xFFFF  }
0x6e: {  	[sflag:s0] =	ssyncadd.tile.s32 @!p0 $0x1;
	_ =	shalt  }
.Lfunc_end2:
_tile_overlayer_lowered:
.L_overlay_start_2:
0x6f: {  	(tag) =	ssettag $0x2  }
0x70: {  	s0 =	rddreg [dreg:$0x0];
	s2 =	stileid.u32  }
0x71: {  	s1 =	rddreg [dreg:$0x1];
	p0 =	sne.s32 s2, $0x0  }
0x72: {  	s3 =	rddreg [dreg:$0x2];
	[bflag:$0x3] =	sbarrier.arrive $0xFFFF;
	s2 =	simm.s32 @!p0 $0x1C01  }
0x73: {  	[timem:s3], [sflag:s2] =	dma.local @!p0 [hbm:s0], s1  }
0x74: {  	s0 =	simm.s32 @!p0 $0x1  }
0x75: {  	_ =	swait.ge @!p0 [sflag:s0], s1  }
0x76: {  	s1 =	ssub.s32 @!p0 $0x0, s1;
	[sflag:s0] =	ssyncset.done @!p0 $0x0  }
0x77: {  	[sflag:s0] =	ssyncadd.s32 @!p0 s1  }
0x78: {  	[bflag:$0x3] =	sbarrier.arrive $0xFFFF  }
0x79: {  	_ =	shalt  }

</sc_bundles>
